<compile_context>
chip_gen: v7x
topology: tpu7x:2x2x1
jax: 0.10.2.dev20260603
libtpu: 0.0.44.dev20260713+nightly
codegen_flags: <defaults>
</compile_context>

<pallas_src>
import functools

import jax
import jax.numpy as jnp
from jax import lax
from jax.experimental import pallas as pl
from jax.experimental.pallas import tpu as pltpu
from jax.experimental.pallas import tpu_sc as plsc

N = 10000
NP = 10240
E = 320000
D = 128

NC = 2
NS = 16
NW = NC * NS
K = 128
NB = 79
EPW = NB * K
EP = NW * EPW
RPT = NP // NS

ROW_BLK = 2048
GRID = NP // ROW_BLK

_mesh = plsc.VectorSubcoreMesh(
    core_axis_name="c", subcore_axis_name="s", num_cores=NC, num_subcores=NS
)


@functools.partial(
    pl.kernel,
    out_type=jax.ShapeDtypeStruct((NW, 8, NP), jnp.int32),
    mesh=_mesh,
    scratch_types=[
        pltpu.VMEM((EPW,), jnp.int32),
        pltpu.VMEM((NP,), jnp.int32),
    ],
    compiler_params=pltpu.CompilerParams(needs_layout_passes=False),
)
def _deg_kernel(dst_hbm, out_hbm, dstage, hist):
    cid = lax.axis_index("c")
    sid = lax.axis_index("s")
    w = cid * NS + sid
    pltpu.sync_copy(dst_hbm.at[pl.ds(w * EPW, EPW)], dstage)

    def zero(i, carry):
        hist[pl.ds(i * 16, 16)] = jnp.zeros((16,), jnp.int32)
        return carry

    lax.fori_loop(0, NP // 16, zero, 0)

    ones_v = jnp.ones((16,), jnp.int32)

    def step(t, carry):
        idx = dstage[pl.ds(t * 16, 16)]
        plsc.addupdate_scatter(hist, [idx], ones_v)
        return carry

    lax.fori_loop(0, EPW // 16, step, 0)
    pltpu.sync_copy(hist, out_hbm.at[w, 0])


@functools.partial(
    pl.kernel,
    out_type=jax.ShapeDtypeStruct((NC, NP, D), jnp.float32),
    mesh=_mesh,
    scratch_types=[
        pltpu.VMEM((2, K), jnp.int32),
        pltpu.VMEM((NB, K), jnp.int32),
        pltpu.VMEM((2, K, D), jnp.float32),
        pltpu.SemaphoreType.DMA((2,)),
        pltpu.SemaphoreType.DMA((2,)),
        pltpu.SemaphoreType.DMA((2,)),
        pltpu.SemaphoreType.DMA((2,)),
        pltpu.VMEM_SHARED((NP, D), jnp.float32),
    ],
)
def _agg_kernel(
    src_hbm, dst_hbm, g_hbm, z_hbm, out_hbm,
    sring, dstage, rows, gsem, isem, ssem, zsem, acc_sh,
):
    cid = lax.axis_index("c")
    sid = lax.axis_index("s")
    w = cid * NS + sid
    ebase = w * EPW
    dcp = pltpu.async_copy(dst_hbm.at[w], dstage, zsem.at[0])
    zcp = pltpu.async_copy(
        z_hbm.at[pl.ds(sid * RPT, RPT)], acc_sh.at[pl.ds(sid * RPT, RPT)], zsem.at[1]
    )

    pltpu.sync_copy(src_hbm.at[pl.ds(ebase, K)], sring.at[0])
    pltpu.async_copy(g_hbm.at[sring.at[0]], rows.at[0], gsem.at[0])
    pltpu.async_copy(src_hbm.at[pl.ds(ebase + K, K)], sring.at[1], isem.at[1])
    dcp.wait()
    zcp.wait()
    plsc.subcore_barrier()

    def body(b, carry):
        p = lax.rem(b, 2)
        q = 1 - p

        @pl.when(b + 1 < NB)
        def _():
            pltpu.make_async_copy(
                src_hbm.at[pl.ds(ebase, K)], sring.at[q], isem.at[q]
            ).wait()

            @pl.when(b >= 1)
            def _():
                pltpu.make_async_copy(
                    z_hbm.at[pl.ds(0, K)], rows.at[q], ssem.at[q]
                ).wait()

            pltpu.async_copy(g_hbm.at[sring.at[q]], rows.at[q], gsem.at[q])

        pltpu.make_async_copy(
            z_hbm.at[pl.ds(0, K)], rows.at[p], gsem.at[p]
        ).wait()

        @pl.when(b + 2 < NB)
        def _():
            pltpu.async_copy(
                src_hbm.at[pl.ds(ebase + (b + 2) * K, K)],
                sring.at[p],
                isem.at[p],
            )

        pltpu.async_copy(rows.at[p], acc_sh.at[dstage.at[b]], ssem.at[p], add=True)
        return carry

    lax.fori_loop(0, NB, body, 0)

    pltpu.make_async_copy(z_hbm.at[pl.ds(0, K)], rows.at[0], ssem.at[0]).wait()
    pltpu.make_async_copy(z_hbm.at[pl.ds(0, K)], rows.at[1], ssem.at[1]).wait()

    plsc.subcore_barrier()
    pltpu.sync_copy(
        acc_sh.at[pl.ds(sid * RPT, RPT)],
        out_hbm.at[cid, pl.ds(sid * RPT, RPT)],
    )


def _k1_body(x_ref, w_ref, deg_ref, g_ref, dis_ref):
    degp = deg_ref[:, 0, :].astype(jnp.float32)
    deg_col = jnp.dot(
        degp.T, jnp.ones((NW, 1), jnp.float32),
        preferred_element_type=jnp.float32,
    ) + 1.0
    dis = lax.rsqrt(deg_col)
    dis_ref[...] = jnp.broadcast_to(dis, (ROW_BLK, 8))
    h = jnp.dot(x_ref[...], w_ref[...], preferred_element_type=jnp.float32)
    g_ref[...] = dis * h


def _k2_body(acc_ref, g1_ref, dis_ref, w_ref, b_ref, g2_ref):
    dis = dis_ref[:, :1]
    t = dis * (acc_ref[0] + acc_ref[1] + g1_ref[...]) + b_ref[...]
    z = jnp.maximum(t, 0.0)
    h = jnp.dot(z, w_ref[...], preferred_element_type=jnp.float32)
    g2_ref[...] = dis * h


def _k3_body(acc_ref, g2_ref, dis_ref, b_ref, out_ref):
    out_ref[...] = (
        dis_ref[:, :1] * (acc_ref[0] + acc_ref[1] + g2_ref[...]) + b_ref[...]
    )


_row_spec = pl.BlockSpec((ROW_BLK, D), lambda i: (i, 0))
_acc_spec = pl.BlockSpec((NC, ROW_BLK, D), lambda i: (0, i, 0))
_deg_spec = pl.BlockSpec((NW, 8, ROW_BLK), lambda i: (0, 0, i))
_w_spec = pl.BlockSpec((D, D), lambda i: (0, 0))
_b_spec = pl.BlockSpec((1, D), lambda i: (0, 0))
_dis_spec = pl.BlockSpec((ROW_BLK, 8), lambda i: (i, 0))
_dis_struct = jax.ShapeDtypeStruct((NP, 8), jnp.float32)
_out_struct = jax.ShapeDtypeStruct((NP, D), jnp.float32)

_k1 = pl.pallas_call(
    _k1_body,
    grid=(GRID,),
    in_specs=[_row_spec, _w_spec, _deg_spec],
    out_specs=[_row_spec, _dis_spec],
    out_shape=[_out_struct, _dis_struct],
)

_k2 = pl.pallas_call(
    _k2_body,
    grid=(GRID,),
    in_specs=[_acc_spec, _row_spec, _dis_spec, _w_spec, _b_spec],
    out_specs=_row_spec,
    out_shape=_out_struct,
)

_k3 = pl.pallas_call(
    _k3_body,
    grid=(GRID,),
    in_specs=[_acc_spec, _row_spec, _dis_spec, _b_spec],
    out_specs=_row_spec,
    out_shape=_out_struct,
)


def kernel(x, edge_index, W1, b1, W2, b2):
    e32 = edge_index.astype(jnp.int32)
    pad = jnp.arange(EP - E, dtype=jnp.int32)
    src = jnp.concatenate([e32[0], pad % N])
    dst1 = jnp.concatenate([e32[1], N + pad % (NP - N)])
    dst = dst1.reshape(NW, NB, K)
    z128 = jnp.zeros((NP, D), jnp.float32)
    xp = jnp.concatenate([x, jnp.zeros((NP - N, D), x.dtype)])
    b1r = b1.reshape(1, D)
    b2r = b2.reshape(1, D)

    deg = _deg_kernel(dst1)
    g1, dis = _k1(xp, W1, deg)
    acc1 = _agg_kernel(src, dst, g1, z128)
    g2 = _k2(acc1, g1, dis, W2, b1r)
    acc2 = _agg_kernel(src, dst, g2, z128)
    return _k3(acc2, g2, dis, b2r)[:N]

# --- scband reference (transcript-rebuilt; emitter-appended) ---
"""Pipeline reference for scband-flexible-gcn-24481313587838 (READ-ONLY COPY).

The authoritative reference and input builder live on the scoring server;
editing this copy changes nothing except your own understanding.
"""

import jax, jax.numpy as jnp
import numpy as np

N_NODES = 10000
N_EDGES = 320000
D_IN = 128
D_HID = 128
D_OUT = 128


def setup_inputs(seed: int = 0) -> dict:
    key = jax.random.key(seed)
    k_x, k_e, k_w1, k_b1, k_w2, k_b2 = jax.random.split(key, 6)
    x = jax.random.normal(k_x, (N_NODES, D_IN), dtype=jnp.float32)
    edge_index = jax.random.randint(k_e, (2, N_EDGES), 0, N_NODES, dtype=jnp.int64)
    # GCNConv linear weights (glorot-like init) and biases
    s1 = 1.0 / np.sqrt(D_IN)
    s2 = 1.0 / np.sqrt(D_HID)
    W1 = jax.random.uniform(k_w1, (D_IN, D_HID), dtype=jnp.float32, minval=-s1, maxval=s1)
    b1 = jnp.zeros((D_HID,), dtype=jnp.float32)
    W2 = jax.random.uniform(k_w2, (D_HID, D_OUT), dtype=jnp.float32, minval=-s2, maxval=s2)
    b2 = jnp.zeros((D_OUT,), dtype=jnp.float32)
    return {"x": x, "edge_index": edge_index, "W1": W1, "b1": b1, "W2": W2, "b2": b2}


def _gcn_conv(x, edge_index, W, b):
    # Faithful GCNConv: linear transform, add self-loops, symmetric normalization,
    # scatter-add aggregation, then bias.
    num_nodes = x.shape[0]
    h = x @ W
    src = edge_index[0]
    dst = edge_index[1]
    loop = jnp.arange(num_nodes, dtype=edge_index.dtype)
    src = jnp.concatenate([src, loop])
    dst = jnp.concatenate([dst, loop])
    deg = jnp.zeros((num_nodes,), dtype=h.dtype).at[dst].add(1.0)
    deg_inv_sqrt = jnp.where(deg > 0, deg ** -0.5, 0.0)
    norm = deg_inv_sqrt[src] * deg_inv_sqrt[dst]
    msg = h[src] * norm[:, None]
    out = jnp.zeros((num_nodes, h.shape[1]), dtype=h.dtype).at[dst].add(msg)
    return out + b


def reference(x, edge_index, W1, b1, W2, b2):
    # Layer 1 + ReLU (dropout is identity in eval mode)
    h = _gcn_conv(x, edge_index, W1, b1)
    h = jax.nn.relu(h)
    # Final layer (no activation)
    out = _gcn_conv(h, edge_index, W2, b2)
    return out

if __name__ == "__main__":
    import jax
    _d = setup_inputs()
    print(jax.jit(kernel)(*tuple(_d.values())))

</pallas_src>

<mosaic_0001>
#map = affine_map<(d0, d1) -> (0)>
#map1 = affine_map<(d0, d1) -> (0, 0, 0)>
module attributes {stable_mosaic.version = 14 : i64} {
  func.func @_deg_kernel(%arg0: i32, %arg1: i32, %arg2: memref<323584xi32, #tpu.memory_space<hbm>>, %arg3: memref<32x8x10240xi32, #tpu.memory_space<hbm>>, %arg4: memref<10112xi32, #tpu.memory_space<vmem>>, %arg5: memref<10240xi32, #tpu.memory_space<vmem>>) attributes {dimension_semantics = [#tpu.dimension_semantics<core_parallel>, #tpu.dimension_semantics<subcore_parallel>], iteration_bounds = array<i64: 2, 16>, scalar_prefetch = 0 : i64, scratch_operands = 2 : i64, tpu.core_type = #tpu.core_type<sc_vector_subcore>, window_params = [{transform_indices = #map}, {transform_indices = #map1}]} {
    %mul3A = arith.constant 16 : i32
    %mul3A_0 = arith.muli %arg0, %mul3A : i32
    %add3A = arith.addi %mul3A_0, %arg1 : i32
    %mul3A_1 = arith.constant 10112 : i32
    %mul3A_2 = arith.muli %add3A, %mul3A_1 : i32
    "tpu.region"() ({
      %run_scoped3A_15 = tpu.sem_alloc : memref<!tpu.dma_semaphore, #tpu.memory_space<semaphore_mem>>
      %dma_start3A = tpu.memref_slice %arg2[%mul3A_2] : memref<323584xi32, #tpu.memory_space<hbm>> -> memref<10112xi32, #tpu.memory_space<hbm>>
      %dma_start3A_16 = tpu.memref_slice %arg2[%mul3A_2] : memref<323584xi32, #tpu.memory_space<hbm>> -> memref<10112xi32, #tpu.memory_space<hbm>>
      tpu.enqueue_dma source(%dma_start3A_16 : memref<10112xi32, #tpu.memory_space<hbm>>) target(%arg4 : memref<10112xi32, #tpu.memory_space<vmem>>) target_semaphore(%run_scoped3A_15 : memref<!tpu.dma_semaphore, #tpu.memory_space<semaphore_mem>>)
      %dma_wait3A = tpu.memref_slice %arg2[%mul3A_2] : memref<323584xi32, #tpu.memory_space<hbm>> -> memref<10112xi32, #tpu.memory_space<hbm>>
      %dma_wait3A_17 = tpu.memref_slice %arg2[%mul3A_2] : memref<323584xi32, #tpu.memory_space<hbm>> -> memref<10112xi32, #tpu.memory_space<hbm>>
      tpu.wait_dma2 semaphore(%run_scoped3A_15 : memref<!tpu.dma_semaphore, #tpu.memory_space<semaphore_mem>>) src(%dma_wait3A_17 : memref<10112xi32, #tpu.memory_space<hbm>>) dst(%arg4 : memref<10112xi32, #tpu.memory_space<vmem>>)
      tpu.yield
    }) : () -> ()
    %scan3A = arith.constant 0 : i32
    %scan3A_3 = arith.constant 0 : i32
    %scan3A_4 = arith.constant 640 : i32
    %scan3A_5 = arith.addi %scan3A_3, %scan3A_4 : i32
    %scan3A_6 = arith.constant 1 : i32
    scf.for %scan3A_15 = %scan3A_3 to %scan3A_5 step %scan3A_6  : i32 {
      %broadcast_in_dim3A_16 = arith.constant 0 : i32
      %broadcast_in_dim3A_17 = vector.broadcast %broadcast_in_dim3A_16 : i32 to vector<16xi32>
      %mul3A_18 = arith.constant 16 : i32
      %mul3A_19 = arith.muli %scan3A_15, %mul3A_18 : i32
      %swap3A = arith.index_cast %mul3A_19 : i32 to index
      %swap3A_20 = tpu.vector_load %arg5[%swap3A] {strides = array<i32>} : memref<10240xi32, #tpu.memory_space<vmem>>, vector<16xi32>,
      tpu.vector_store %arg5[%swap3A], %broadcast_in_dim3A_17 {strides = array<i32>} : memref<10240xi32, #tpu.memory_space<vmem>>, vector<16xi32>,
    }
    %scan3A_7 = arith.constant 640 : i32
    %broadcast_in_dim3A = arith.constant 1 : i32
    %broadcast_in_dim3A_8 = vector.broadcast %broadcast_in_dim3A : i32 to vector<16xi32>
    %scan3A_9 = arith.constant 0 : i32
    %scan3A_10 = arith.constant 0 : i32
    %scan3A_11 = arith.constant 632 : i32
    %scan3A_12 = arith.addi %scan3A_10, %scan3A_11 : i32
    %scan3A_13 = arith.constant 1 : i32
    scf.for %scan3A_15 = %scan3A_10 to %scan3A_12 step %scan3A_13  : i32 {
      %mul3A_16 = arith.constant 16 : i32
      %mul3A_17 = arith.muli %scan3A_15, %mul3A_16 : i32
      %get3A = arith.index_cast %mul3A_17 : i32 to index
      %get3A_18 = tpu.vector_load %arg4[%get3A] {strides = array<i32>} : memref<10112xi32, #tpu.memory_space<vmem>>, vector<16xi32>,
      tpu.vector_store_idx %arg5[%get3A_18], %broadcast_in_dim3A_8 {add = true} : memref<10240xi32, #tpu.memory_space<vmem>>[vector<16xi32>], vector<16xi32>,
    }
    %scan3A_14 = arith.constant 632 : i32
    %run_scoped3A = arith.constant 0 : i32
    "tpu.region"() ({
      %run_scoped3A_15 = tpu.sem_alloc : memref<!tpu.dma_semaphore, #tpu.memory_space<semaphore_mem>>
      %dma_start3A = arith.constant 0 : i32
      %dma_start3A_16 = tpu.memref_slice %arg3[%add3A, %run_scoped3A, %dma_start3A] : memref<32x8x10240xi32, #tpu.memory_space<hbm>> -> memref<1x1x10240xi32, #tpu.memory_space<hbm>>
      %dma_start3A_17 = tpu.memref_squeeze %dma_start3A_16 : memref<1x1x10240xi32, #tpu.memory_space<hbm>> -> memref<10240xi32, #tpu.memory_space<hbm>>
      %dma_start3A_18 = arith.constant 0 : i32
      %dma_start3A_19 = tpu.memref_slice %arg3[%add3A, %run_scoped3A, %dma_start3A_18] : memref<32x8x10240xi32, #tpu.memory_space<hbm>> -> memref<1x1x10240xi32, #tpu.memory_space<hbm>>
      %dma_start3A_20 = tpu.memref_squeeze %dma_start3A_19 : memref<1x1x10240xi32, #tpu.memory_space<hbm>> -> memref<10240xi32, #tpu.memory_space<hbm>>
      tpu.enqueue_dma source(%arg5 : memref<10240xi32, #tpu.memory_space<vmem>>) target(%dma_start3A_20 : memref<10240xi32, #tpu.memory_space<hbm>>) target_semaphore(%run_scoped3A_15 : memref<!tpu.dma_semaphore, #tpu.memory_space<semaphore_mem>>)
      %dma_wait3A = arith.constant 0 : i32
      %dma_wait3A_21 = tpu.memref_slice %arg3[%add3A, %run_scoped3A, %dma_wait3A] : memref<32x8x10240xi32, #tpu.memory_space<hbm>> -> memref<1x1x10240xi32, #tpu.memory_space<hbm>>
      %dma_wait3A_22 = tpu.memref_squeeze %dma_wait3A_21 : memref<1x1x10240xi32, #tpu.memory_space<hbm>> -> memref<10240xi32, #tpu.memory_space<hbm>>
      %dma_wait3A_23 = arith.constant 0 : i32
      %dma_wait3A_24 = tpu.memref_slice %arg3[%add3A, %run_scoped3A, %dma_wait3A_23] : memref<32x8x10240xi32, #tpu.memory_space<hbm>> -> memref<1x1x10240xi32, #tpu.memory_space<hbm>>
      %dma_wait3A_25 = tpu.memref_squeeze %dma_wait3A_24 : memref<1x1x10240xi32, #tpu.memory_space<hbm>> -> memref<10240xi32, #tpu.memory_space<hbm>>
      tpu.wait_dma2 semaphore(%run_scoped3A_15 : memref<!tpu.dma_semaphore, #tpu.memory_space<semaphore_mem>>) src(%arg5 : memref<10240xi32, #tpu.memory_space<vmem>>) dst(%dma_wait3A_25 : memref<10240xi32, #tpu.memory_space<hbm>>)
      tpu.yield
    }) : () -> ()
    return
  }
}

#map = affine_map<(d0, d1) -> (0)>
#map1 = affine_map<(d0, d1) -> (0, 0, 0)>
#map2 = affine_map<(d0, d1) -> (0, 0)>
module attributes {stable_mosaic.version = 14 : i64} {
  func.func @_agg_kernel(%arg0: i32, %arg1: i32, %arg2: memref<323584xi32, #tpu.memory_space<hbm>>, %arg3: memref<32x79x128xi32, #tpu.memory_space<hbm>>, %arg4: memref<10240x128xf32, #tpu.memory_space<hbm>>, %arg5: memref<10240x128xf32, #tpu.memory_space<hbm>>, %arg6: memref<2x10240x128xf32, #tpu.memory_space<hbm>>, %arg7: memref<2x128xi32, #tpu.memory_space<vmem>>, %arg8: memref<79x128xi32, #tpu.memory_space<vmem>>, %arg9: memref<2x128x128xf32, #tpu.memory_space<vmem>>, %arg10: memref<2x!tpu.dma_semaphore, #tpu.memory_space<semaphore_mem>>, %arg11: memref<2x!tpu.dma_semaphore, #tpu.memory_space<semaphore_mem>>, %arg12: memref<2x!tpu.dma_semaphore, #tpu.memory_space<semaphore_mem>>, %arg13: memref<2x!tpu.dma_semaphore, #tpu.memory_space<semaphore_mem>>, %arg14: memref<10240x128xf32, #tpu.memory_space<vmem_shared>>) attributes {dimension_semantics = [#tpu.dimension_semantics<core_parallel>, #tpu.dimension_semantics<subcore_parallel>], iteration_bounds = array<i64: 2, 16>, scalar_prefetch = 0 : i64, scratch_operands = 8 : i64, tpu.core_type = #tpu.core_type<sc_vector_subcore>, window_params = [{transform_indices = #map}, {transform_indices = #map1}, {transform_indices = #map2}, {transform_indices = #map2}, {transform_indices = #map1}]} {
    %mul3A = arith.constant 16 : i32
    %mul3A_0 = arith.muli %arg0, %mul3A : i32
    %add3A = arith.addi %mul3A_0, %arg1 : i32
    %mul3A_1 = arith.constant 10112 : i32
    %mul3A_2 = arith.muli %add3A, %mul3A_1 : i32
    %dma_start3A = arith.constant 0 : i32
    %dma_start3A_3 = arith.constant 0 : i32
    %dma_start3A_4 = arith.constant 0 : i32
    %dma_start3A_5 = tpu.memref_slice %arg3[%add3A, %dma_start3A_3, %dma_start3A_4] : memref<32x79x128xi32, #tpu.memory_space<hbm>> -> memref<1x79x128xi32, #tpu.memory_space<hbm>>
    %dma_start3A_6 = tpu.memref_squeeze %dma_start3A_5 : memref<1x79x128xi32, #tpu.memory_space<hbm>> -> memref<79x128xi32, #tpu.memory_space<hbm>>
    %dma_start3A_7 = tpu.memref_slice %arg13[%dma_start3A] : memref<2x!tpu.dma_semaphore, #tpu.memory_space<semaphore_mem>> -> memref<1x!tpu.dma_semaphore, #tpu.memory_space<semaphore_mem>>
    %dma_start3A_8 = tpu.memref_squeeze %dma_start3A_7 : memref<1x!tpu.dma_semaphore, #tpu.memory_space<semaphore_mem>> -> memref<!tpu.dma_semaphore, #tpu.memory_space<semaphore_mem>>
    %dma_start3A_9 = arith.constant 0 : i32
    %dma_start3A_10 = arith.constant 0 : i32
    %dma_start3A_11 = tpu.memref_slice %arg3[%add3A, %dma_start3A_9, %dma_start3A_10] : memref<32x79x128xi32, #tpu.memory_space<hbm>> -> memref<1x79x128xi32, #tpu.memory_space<hbm>>
    %dma_start3A_12 = tpu.memref_squeeze %dma_start3A_11 : memref<1x79x128xi32, #tpu.memory_space<hbm>> -> memref<79x128xi32, #tpu.memory_space<hbm>>
    tpu.enqueue_dma source(%dma_start3A_12 : memref<79x128xi32, #tpu.memory_space<hbm>>) target(%arg8 : memref<79x128xi32, #tpu.memory_space<vmem>>) target_semaphore(%dma_start3A_8 : memref<!tpu.dma_semaphore, #tpu.memory_space<semaphore_mem>>)
    %mul3A_13 = arith.constant 640 : i32
    %mul3A_14 = arith.muli %arg1, %mul3A_13 : i32
    %mul3A_15 = arith.constant 640 : i32
    %mul3A_16 = arith.muli %arg1, %mul3A_15 : i32
    %dma_start3A_17 = arith.constant 1 : i32
    %dma_start3A_18 = tpu.memref_slice %arg13[%dma_start3A_17] : memref<2x!tpu.dma_semaphore, #tpu.memory_space<semaphore_mem>> -> memref<1x!tpu.dma_semaphore, #tpu.memory_space<semaphore_mem>>
    %dma_start3A_19 = tpu.memref_squeeze %dma_start3A_18 : memref<1x!tpu.dma_semaphore, #tpu.memory_space<semaphore_mem>> -> memref<!tpu.dma_semaphore, #tpu.memory_space<semaphore_mem>>
    %dma_start3A_20 = arith.constant 0 : i32
    %dma_start3A_21 = tpu.memref_slice %arg14[%mul3A_16, %dma_start3A_20] : memref<10240x128xf32, #tpu.memory_space<vmem_shared>> -> memref<640x128xf32, #tpu.memory_space<vmem_shared>>
    %dma_start3A_22 = arith.constant 0 : i32
    %dma_start3A_23 = tpu.memref_slice %arg5[%mul3A_14, %dma_start3A_22] : memref<10240x128xf32, #tpu.memory_space<hbm>> -> memref<640x128xf32, #tpu.memory_space<hbm>>
    tpu.enqueue_dma source(%dma_start3A_23 : memref<640x128xf32, #tpu.memory_space<hbm>>) target(%dma_start3A_21 : memref<640x128xf32, #tpu.memory_space<vmem_shared>>) target_semaphore(%dma_start3A_19 : memref<!tpu.dma_semaphore, #tpu.memory_space<semaphore_mem>>)
    %run_scoped3A = arith.constant 0 : i32
    "tpu.region"() ({
      %run_scoped3A_116 = tpu.sem_alloc : memref<!tpu.dma_semaphore, #tpu.memory_space<semaphore_mem>>
      %dma_start3A_117 = arith.constant 0 : i32
      %dma_start3A_118 = tpu.memref_slice %arg7[%run_scoped3A, %dma_start3A_117] : memref<2x128xi32, #tpu.memory_space<vmem>> -> memref<1x128xi32, #tpu.memory_space<vmem>>
      %dma_start3A_119 = tpu.memref_squeeze %dma_start3A_118 : memref<1x128xi32, #tpu.memory_space<vmem>> -> memref<128xi32, #tpu.memory_space<vmem>>
      %dma_start3A_120 = tpu.memref_slice %arg2[%mul3A_2] : memref<323584xi32, #tpu.memory_space<hbm>> -> memref<128xi32, #tpu.memory_space<hbm>>
      %dma_start3A_121 = arith.constant 0 : i32
      %dma_start3A_122 = tpu.memref_slice %arg7[%run_scoped3A, %dma_start3A_121] : memref<2x128xi32, #tpu.memory_space<vmem>> -> memref<1x128xi32, #tpu.memory_space<vmem>>
      %dma_start3A_123 = tpu.memref_squeeze %dma_start3A_122 : memref<1x128xi32, #tpu.memory_space<vmem>> -> memref<128xi32, #tpu.memory_space<vmem>>
      %dma_start3A_124 = tpu.memref_slice %arg2[%mul3A_2] : memref<323584xi32, #tpu.memory_space<hbm>> -> memref<128xi32, #tpu.memory_space<hbm>>
      tpu.enqueue_dma source(%dma_start3A_124 : memref<128xi32, #tpu.memory_space<hbm>>) target(%dma_start3A_123 : memref<128xi32, #tpu.memory_space<vmem>>) target_semaphore(%run_scoped3A_116 : memref<!tpu.dma_semaphore, #tpu.memory_space<semaphore_mem>>)
      %dma_wait3A_125 = arith.constant 0 : i32
      %dma_wait3A_126 = tpu.memref_slice %arg7[%run_scoped3A, %dma_wait3A_125] : memref<2x128xi32, #tpu.memory_space<vmem>> -> memref<1x128xi32, #tpu.memory_space<vmem>>
      %dma_wait3A_127 = tpu.memref_squeeze %dma_wait3A_126 : memref<1x128xi32, #tpu.memory_space<vmem>> -> memref<128xi32, #tpu.memory_space<vmem>>
      %dma_wait3A_128 = tpu.memref_slice %arg2[%mul3A_2] : memref<323584xi32, #tpu.memory_space<hbm>> -> memref<128xi32, #tpu.memory_space<hbm>>
      %dma_wait3A_129 = arith.constant 0 : i32
      %dma_wait3A_130 = tpu.memref_slice %arg7[%run_scoped3A, %dma_wait3A_129] : memref<2x128xi32, #tpu.memory_space<vmem>> -> memref<1x128xi32, #tpu.memory_space<vmem>>
      %dma_wait3A_131 = tpu.memref_squeeze %dma_wait3A_130 : memref<1x128xi32, #tpu.memory_space<vmem>> -> memref<128xi32, #tpu.memory_space<vmem>>
      %dma_wait3A_132 = tpu.memref_slice %arg2[%mul3A_2] : memref<323584xi32, #tpu.memory_space<hbm>> -> memref<128xi32, #tpu.memory_space<hbm>>
      tpu.wait_dma2 semaphore(%run_scoped3A_116 : memref<!tpu.dma_semaphore, #tpu.memory_space<semaphore_mem>>) src(%dma_wait3A_132 : memref<128xi32, #tpu.memory_space<hbm>>) dst(%dma_wait3A_131 : memref<128xi32, #tpu.memory_space<vmem>>)
      tpu.yield
    }) : () -> ()
    %dma_start3A_24 = arith.constant 0 : i32
    %dma_start3A_25 = arith.constant 0 : i32
    %dma_start3A_26 = arith.constant 0 : i32
    %dma_start3A_27 = arith.constant 0 : i32
    %dma_start3A_28 = arith.constant 0 : i32
    %dma_start3A_29 = tpu.memref_slice %arg9[%dma_start3A_25, %dma_start3A_27, %dma_start3A_28] : memref<2x128x128xf32, #tpu.memory_space<vmem>> -> memref<1x128x128xf32, #tpu.memory_space<vmem>>
    %dma_start3A_30 = tpu.memref_squeeze %dma_start3A_29 : memref<1x128x128xf32, #tpu.memory_space<vmem>> -> memref<128x128xf32, #tpu.memory_space<vmem>>
    %dma_start3A_31 = arith.constant 0 : i32
    %dma_start3A_32 = tpu.memref_slice %arg7[%dma_start3A_24, %dma_start3A_31] : memref<2x128xi32, #tpu.memory_space<vmem>> -> memref<1x128xi32, #tpu.memory_space<vmem>>
    %dma_start3A_33 = tpu.memref_squeeze %dma_start3A_32 : memref<1x128xi32, #tpu.memory_space<vmem>> -> memref<128xi32, #tpu.memory_space<vmem>>
    %dma_start3A_34 = arith.constant 0 : i32
    %dma_start3A_35 = arith.constant 0 : i32
    %dma_start3A_36 = tpu.memref_slice %arg4[%dma_start3A_34, %dma_start3A_35] : memref<10240x128xf32, #tpu.memory_space<hbm>> -> memref<10240x128xf32, #tpu.memory_space<hbm>>
    %dma_start3A_37 = tpu.memref_slice %arg10[%dma_start3A_26] : memref<2x!tpu.dma_semaphore, #tpu.memory_space<semaphore_mem>> -> memref<1x!tpu.dma_semaphore, #tpu.memory_space<semaphore_mem>>
    %dma_start3A_38 = tpu.memref_squeeze %dma_start3A_37 : memref<1x!tpu.dma_semaphore, #tpu.memory_space<semaphore_mem>> -> memref<!tpu.dma_semaphore, #tpu.memory_space<semaphore_mem>>
    tpu.enqueue_indirect_dma source(%dma_start3A_36 : memref<10240x128xf32, #tpu.memory_space<hbm>>) target(%dma_start3A_30 : memref<128x128xf32, #tpu.memory_space<vmem>>) offsets(%dma_start3A_33 : memref<128xi32, #tpu.memory_space<vmem>>) semaphore(%dma_start3A_38 : memref<!tpu.dma_semaphore, #tpu.memory_space<semaphore_mem>>)
    %add3A_39 = arith.constant 128 : i32
    %add3A_40 = arith.addi %mul3A_2, %add3A_39 : i32
    %dma_start3A_41 = arith.constant 1 : i32
    %dma_start3A_42 = arith.constant 1 : i32
    %dma_start3A_43 = arith.constant 0 : i32
    %dma_start3A_44 = tpu.memref_slice %arg7[%dma_start3A_41, %dma_start3A_43] : memref<2x128xi32, #tpu.memory_space<vmem>> -> memref<1x128xi32, #tpu.memory_space<vmem>>
    %dma_start3A_45 = tpu.memref_squeeze %dma_start3A_44 : memref<1x128xi32, #tpu.memory_space<vmem>> -> memref<128xi32, #tpu.memory_space<vmem>>
    %dma_start3A_46 = tpu.memref_slice %arg2[%add3A_40] : memref<323584xi32, #tpu.memory_space<hbm>> -> memref<128xi32, #tpu.memory_space<hbm>>
    %dma_start3A_47 = tpu.memref_slice %arg11[%dma_start3A_42] : memref<2x!tpu.dma_semaphore, #tpu.memory_space<semaphore_mem>> -> memref<1x!tpu.dma_semaphore, #tpu.memory_space<semaphore_mem>>
    %dma_start3A_48 = tpu.memref_squeeze %dma_start3A_47 : memref<1x!tpu.dma_semaphore, #tpu.memory_space<semaphore_mem>> -> memref<!tpu.dma_semaphore, #tpu.memory_space<semaphore_mem>>
    %dma_start3A_49 = arith.constant 0 : i32
    %dma_start3A_50 = tpu.memref_slice %arg7[%dma_start3A_41, %dma_start3A_49] : memref<2x128xi32, #tpu.memory_space<vmem>> -> memref<1x128xi32, #tpu.memory_space<vmem>>
    %dma_start3A_51 = tpu.memref_squeeze %dma_start3A_50 : memref<1x128xi32, #tpu.memory_space<vmem>> -> memref<128xi32, #tpu.memory_space<vmem>>
    %dma_start3A_52 = tpu.memref_slice %arg2[%add3A_40] : memref<323584xi32, #tpu.memory_space<hbm>> -> memref<128xi32, #tpu.memory_space<hbm>>
    tpu.enqueue_dma source(%dma_start3A_52 : memref<128xi32, #tpu.memory_space<hbm>>) target(%dma_start3A_51 : memref<128xi32, #tpu.memory_space<vmem>>) target_semaphore(%dma_start3A_48 : memref<!tpu.dma_semaphore, #tpu.memory_space<semaphore_mem>>)
    %dma_wait3A = arith.constant 0 : i32
    %dma_wait3A_53 = arith.constant 0 : i32
    %dma_wait3A_54 = arith.constant 0 : i32
    %dma_wait3A_55 = tpu.memref_slice %arg3[%add3A, %dma_wait3A_53, %dma_wait3A_54] : memref<32x79x128xi32, #tpu.memory_space<hbm>> -> memref<1x79x128xi32, #tpu.memory_space<hbm>>
    %dma_wait3A_56 = tpu.memref_squeeze %dma_wait3A_55 : memref<1x79x128xi32, #tpu.memory_space<hbm>> -> memref<79x128xi32, #tpu.memory_space<hbm>>
    %dma_wait3A_57 = tpu.memref_slice %arg13[%dma_wait3A] : memref<2x!tpu.dma_semaphore, #tpu.memory_space<semaphore_mem>> -> memref<1x!tpu.dma_semaphore, #tpu.memory_space<semaphore_mem>>
    %dma_wait3A_58 = tpu.memref_squeeze %dma_wait3A_57 : memref<1x!tpu.dma_semaphore, #tpu.memory_space<semaphore_mem>> -> memref<!tpu.dma_semaphore, #tpu.memory_space<semaphore_mem>>
    %dma_wait3A_59 = arith.constant 0 : i32
    %dma_wait3A_60 = arith.constant 0 : i32
    %dma_wait3A_61 = tpu.memref_slice %arg3[%add3A, %dma_wait3A_59, %dma_wait3A_60] : memref<32x79x128xi32, #tpu.memory_space<hbm>> -> memref<1x79x128xi32, #tpu.memory_space<hbm>>
    %dma_wait3A_62 = tpu.memref_squeeze %dma_wait3A_61 : memref<1x79x128xi32, #tpu.memory_space<hbm>> -> memref<79x128xi32, #tpu.memory_space<hbm>>
    tpu.wait_dma2 semaphore(%dma_wait3A_58 : memref<!tpu.dma_semaphore, #tpu.memory_space<semaphore_mem>>) src(%dma_wait3A_62 : memref<79x128xi32, #tpu.memory_space<hbm>>) dst(%arg8 : memref<79x128xi32, #tpu.memory_space<vmem>>)
    %dma_wait3A_63 = arith.constant 1 : i32
    %dma_wait3A_64 = tpu.memref_slice %arg13[%dma_wait3A_63] : memref<2x!tpu.dma_semaphore, #tpu.memory_space<semaphore_mem>> -> memref<1x!tpu.dma_semaphore, #tpu.memory_space<semaphore_mem>>
    %dma_wait3A_65 = tpu.memref_squeeze %dma_wait3A_64 : memref<1x!tpu.dma_semaphore, #tpu.memory_space<semaphore_mem>> -> memref<!tpu.dma_semaphore, #tpu.memory_space<semaphore_mem>>
    %dma_wait3A_66 = arith.constant 0 : i32
    %dma_wait3A_67 = tpu.memref_slice %arg14[%mul3A_16, %dma_wait3A_66] : memref<10240x128xf32, #tpu.memory_space<vmem_shared>> -> memref<640x128xf32, #tpu.memory_space<vmem_shared>>
    %dma_wait3A_68 = arith.constant 0 : i32
    %dma_wait3A_69 = tpu.memref_slice %arg5[%mul3A_14, %dma_wait3A_68] : memref<10240x128xf32, #tpu.memory_space<hbm>> -> memref<640x128xf32, #tpu.memory_space<hbm>>
    tpu.wait_dma2 semaphore(%dma_wait3A_65 : memref<!tpu.dma_semaphore, #tpu.memory_space<semaphore_mem>>) src(%dma_wait3A_69 : memref<640x128xf32, #tpu.memory_space<hbm>>) dst(%dma_wait3A_67 : memref<640x128xf32, #tpu.memory_space<vmem_shared>>)
    %barrier3A = arith.constant 0 : index
    tpu.barrier barrier_id(%barrier3A)
    %scan3A = arith.constant 0 : i32
    %scan3A_70 = arith.constant 0 : i32
    %scan3A_71 = arith.constant 79 : i32
    %scan3A_72 = arith.addi %scan3A_70, %scan3A_71 : i32
    %scan3A_73 = arith.constant 1 : i32
    scf.for %scan3A_116 = %scan3A_70 to %scan3A_72 step %scan3A_73  : i32 {
      %rem3A = arith.constant 2 : i32
      %rem3A_117 = arith.remsi %scan3A_116, %rem3A : i32
      %sub3A = arith.constant 1 : i32
      %sub3A_118 = arith.subi %sub3A, %rem3A_117 : i32
      %add3A_119 = arith.constant 1 : i32
      %add3A_120 = arith.addi %scan3A_116, %add3A_119 : i32
      %lt3A = arith.constant 79 : i32
      %lt3A_121 = arith.cmpi slt, %add3A_120, %lt3A : i32
      %convert_element_type3A = arith.extui %lt3A_121 : i1 to i32
      %cond3A = arith.constant 0 : i32
      %cond3A_122 = arith.cmpi ne, %convert_element_type3A, %cond3A : i32
      scf.if %cond3A_122 {
        %dma_wait3A_158 = arith.constant 0 : i32
        %dma_wait3A_159 = tpu.memref_slice %arg7[%sub3A_118, %dma_wait3A_158] : memref<2x128xi32, #tpu.memory_space<vmem>> -> memref<1x128xi32, #tpu.memory_space<vmem>>
        %dma_wait3A_160 = tpu.memref_squeeze %dma_wait3A_159 : memref<1x128xi32, #tpu.memory_space<vmem>> -> memref<128xi32, #tpu.memory_space<vmem>>
        %dma_wait3A_161 = tpu.memref_slice %arg2[%mul3A_2] : memref<323584xi32, #tpu.memory_space<hbm>> -> memref<128xi32, #tpu.memory_space<hbm>>
        %dma_wait3A_162 = tpu.memref_slice %arg11[%sub3A_118] : memref<2x!tpu.dma_semaphore, #tpu.memory_space<semaphore_mem>> -> memref<1x!tpu.dma_semaphore, #tpu.memory_space<semaphore_mem>>
        %dma_wait3A_163 = tpu.memref_squeeze %dma_wait3A_162 : memref<1x!tpu.dma_semaphore, #tpu.memory_space<semaphore_mem>> -> memref<!tpu.dma_semaphore, #tpu.memory_space<semaphore_mem>>
        %dma_wait3A_164 = arith.constant 0 : i32
        %dma_wait3A_165 = tpu.memref_slice %arg7[%sub3A_118, %dma_wait3A_164] : memref<2x128xi32, #tpu.memory_space<vmem>> -> memref<1x128xi32, #tpu.memory_space<vmem>>
        %dma_wait3A_166 = tpu.memref_squeeze %dma_wait3A_165 : memref<1x128xi32, #tpu.memory_space<vmem>> -> memref<128xi32, #tpu.memory_space<vmem>>
        %dma_wait3A_167 = tpu.memref_slice %arg2[%mul3A_2] : memref<323584xi32, #tpu.memory_space<hbm>> -> memref<128xi32, #tpu.memory_space<hbm>>
        tpu.wait_dma2 semaphore(%dma_wait3A_163 : memref<!tpu.dma_semaphore, #tpu.memory_space<semaphore_mem>>) src(%dma_wait3A_167 : memref<128xi32, #tpu.memory_space<hbm>>) dst(%dma_wait3A_166 : memref<128xi32, #tpu.memory_space<vmem>>)
        %ge3A = arith.constant 1 : i32
        %ge3A_168 = arith.cmpi sge, %scan3A_116, %ge3A : i32
        %convert_element_type3A_169 = arith.extui %ge3A_168 : i1 to i32
        %cond3A_170 = arith.constant 0 : i32
        %cond3A_171 = arith.cmpi ne, %convert_element_type3A_169, %cond3A_170 : i32
        scf.if %cond3A_171 {
          %dma_wait3A_184 = arith.constant 0 : i32
          %dma_wait3A_185 = arith.constant 0 : i32
          %dma_wait3A_186 = tpu.memref_slice %arg9[%sub3A_118, %dma_wait3A_184, %dma_wait3A_185] : memref<2x128x128xf32, #tpu.memory_space<vmem>> -> memref<1x128x128xf32, #tpu.memory_space<vmem>>
          %dma_wait3A_187 = tpu.memref_squeeze %dma_wait3A_186 : memref<1x128x128xf32, #tpu.memory_space<vmem>> -> memref<128x128xf32, #tpu.memory_space<vmem>>
          %dma_wait3A_188 = arith.constant 0 : i32
          %dma_wait3A_189 = arith.constant 0 : i32
          %dma_wait3A_190 = tpu.memref_slice %arg5[%dma_wait3A_188, %dma_wait3A_189] : memref<10240x128xf32, #tpu.memory_space<hbm>> -> memref<128x128xf32, #tpu.memory_space<hbm>>
          %dma_wait3A_191 = tpu.memref_slice %arg12[%sub3A_118] : memref<2x!tpu.dma_semaphore, #tpu.memory_space<semaphore_mem>> -> memref<1x!tpu.dma_semaphore, #tpu.memory_space<semaphore_mem>>
          %dma_wait3A_192 = tpu.memref_squeeze %dma_wait3A_191 : memref<1x!tpu.dma_semaphore, #tpu.memory_space<semaphore_mem>> -> memref<!tpu.dma_semaphore, #tpu.memory_space<semaphore_mem>>
          %dma_wait3A_193 = arith.constant 0 : i32
          %dma_wait3A_194 = arith.constant 0 : i32
          %dma_wait3A_195 = tpu.memref_slice %arg9[%sub3A_118, %dma_wait3A_193, %dma_wait3A_194] : memref<2x128x128xf32, #tpu.memory_space<vmem>> -> memref<1x128x128xf32, #tpu.memory_space<vmem>>
          %dma_wait3A_196 = tpu.memref_squeeze %dma_wait3A_195 : memref<1x128x128xf32, #tpu.memory_space<vmem>> -> memref<128x128xf32, #tpu.memory_space<vmem>>
          %dma_wait3A_197 = arith.constant 0 : i32
          %dma_wait3A_198 = arith.constant 0 : i32
          %dma_wait3A_199 = tpu.memref_slice %arg5[%dma_wait3A_197, %dma_wait3A_198] : memref<10240x128xf32, #tpu.memory_space<hbm>> -> memref<128x128xf32, #tpu.memory_space<hbm>>
          tpu.wait_dma2 semaphore(%dma_wait3A_192 : memref<!tpu.dma_semaphore, #tpu.memory_space<semaphore_mem>>) src(%dma_wait3A_199 : memref<128x128xf32, #tpu.memory_space<hbm>>) dst(%dma_wait3A_196 : memref<128x128xf32, #tpu.memory_space<vmem>>)
        } else {
        }
        %dma_start3A_172 = arith.constant 0 : i32
        %dma_start3A_173 = arith.constant 0 : i32
        %dma_start3A_174 = tpu.memref_slice %arg9[%sub3A_118, %dma_start3A_172, %dma_start3A_173] : memref<2x128x128xf32, #tpu.memory_space<vmem>> -> memref<1x128x128xf32, #tpu.memory_space<vmem>>
        %dma_start3A_175 = tpu.memref_squeeze %dma_start3A_174 : memref<1x128x128xf32, #tpu.memory_space<vmem>> -> memref<128x128xf32, #tpu.memory_space<vmem>>
        %dma_start3A_176 = arith.constant 0 : i32
        %dma_start3A_177 = tpu.memref_slice %arg7[%sub3A_118, %dma_start3A_176] : memref<2x128xi32, #tpu.memory_space<vmem>> -> memref<1x128xi32, #tpu.memory_space<vmem>>
        %dma_start3A_178 = tpu.memref_squeeze %dma_start3A_177 : memref<1x128xi32, #tpu.memory_space<vmem>> -> memref<128xi32, #tpu.memory_space<vmem>>
        %dma_start3A_179 = arith.constant 0 : i32
        %dma_start3A_180 = arith.constant 0 : i32
        %dma_start3A_181 = tpu.memref_slice %arg4[%dma_start3A_179, %dma_start3A_180] : memref<10240x128xf32, #tpu.memory_space<hbm>> -> memref<10240x128xf32, #tpu.memory_space<hbm>>
        %dma_start3A_182 = tpu.memref_slice %arg10[%sub3A_118] : memref<2x!tpu.dma_semaphore, #tpu.memory_space<semaphore_mem>> -> memref<1x!tpu.dma_semaphore, #tpu.memory_space<semaphore_mem>>
        %dma_start3A_183 = tpu.memref_squeeze %dma_start3A_182 : memref<1x!tpu.dma_semaphore, #tpu.memory_space<semaphore_mem>> -> memref<!tpu.dma_semaphore, #tpu.memory_space<semaphore_mem>>
        tpu.enqueue_indirect_dma source(%dma_start3A_181 : memref<10240x128xf32, #tpu.memory_space<hbm>>) target(%dma_start3A_175 : memref<128x128xf32, #tpu.memory_space<vmem>>) offsets(%dma_start3A_178 : memref<128xi32, #tpu.memory_space<vmem>>) semaphore(%dma_start3A_183 : memref<!tpu.dma_semaphore, #tpu.memory_space<semaphore_mem>>)
      } else {
      }
      %dma_wait3A_123 = arith.constant 0 : i32
      %dma_wait3A_124 = arith.constant 0 : i32
      %dma_wait3A_125 = tpu.memref_slice %arg9[%rem3A_117, %dma_wait3A_123, %dma_wait3A_124] : memref<2x128x128xf32, #tpu.memory_space<vmem>> -> memref<1x128x128xf32, #tpu.memory_space<vmem>>
      %dma_wait3A_126 = tpu.memref_squeeze %dma_wait3A_125 : memref<1x128x128xf32, #tpu.memory_space<vmem>> -> memref<128x128xf32, #tpu.memory_space<vmem>>
      %dma_wait3A_127 = arith.constant 0 : i32
      %dma_wait3A_128 = arith.constant 0 : i32
      %dma_wait3A_129 = tpu.memref_slice %arg5[%dma_wait3A_127, %dma_wait3A_128] : memref<10240x128xf32, #tpu.memory_space<hbm>> -> memref<128x128xf32, #tpu.memory_space<hbm>>
      %dma_wait3A_130 = tpu.memref_slice %arg10[%rem3A_117] : memref<2x!tpu.dma_semaphore, #tpu.memory_space<semaphore_mem>> -> memref<1x!tpu.dma_semaphore, #tpu.memory_space<semaphore_mem>>
      %dma_wait3A_131 = tpu.memref_squeeze %dma_wait3A_130 : memref<1x!tpu.dma_semaphore, #tpu.memory_space<semaphore_mem>> -> memref<!tpu.dma_semaphore, #tpu.memory_space<semaphore_mem>>
      %dma_wait3A_132 = arith.constant 0 : i32
      %dma_wait3A_133 = arith.constant 0 : i32
      %dma_wait3A_134 = tpu.memref_slice %arg9[%rem3A_117, %dma_wait3A_132, %dma_wait3A_133] : memref<2x128x128xf32, #tpu.memory_space<vmem>> -> memref<1x128x128xf32, #tpu.memory_space<vmem>>
      %dma_wait3A_135 = tpu.memref_squeeze %dma_wait3A_134 : memref<1x128x128xf32, #tpu.memory_space<vmem>> -> memref<128x128xf32, #tpu.memory_space<vmem>>
      %dma_wait3A_136 = arith.constant 0 : i32
      %dma_wait3A_137 = arith.constant 0 : i32
      %dma_wait3A_138 = tpu.memref_slice %arg5[%dma_wait3A_136, %dma_wait3A_137] : memref<10240x128xf32, #tpu.memory_space<hbm>> -> memref<128x128xf32, #tpu.memory_space<hbm>>
      tpu.wait_dma2 semaphore(%dma_wait3A_131 : memref<!tpu.dma_semaphore, #tpu.memory_space<semaphore_mem>>) src(%dma_wait3A_138 : memref<128x128xf32, #tpu.memory_space<hbm>>) dst(%dma_wait3A_135 : memref<128x128xf32, #tpu.memory_space<vmem>>)
      %add3A_139 = arith.constant 2 : i32
      %add3A_140 = arith.addi %scan3A_116, %add3A_139 : i32
      %lt3A_141 = arith.constant 79 : i32
      %lt3A_142 = arith.cmpi slt, %add3A_140, %lt3A_141 : i32
      %convert_element_type3A_143 = arith.extui %lt3A_142 : i1 to i32
      %cond3A_144 = arith.constant 0 : i32
      %cond3A_145 = arith.cmpi ne, %convert_element_type3A_143, %cond3A_144 : i32
      scf.if %cond3A_145 {
        %add3A_158 = arith.constant 2 : i32
        %add3A_159 = arith.addi %scan3A_116, %add3A_158 : i32
        %mul3A_160 = arith.constant 128 : i32
        %mul3A_161 = arith.muli %add3A_159, %mul3A_160 : i32
        %add3A_162 = arith.addi %mul3A_2, %mul3A_161 : i32
        %dma_start3A_163 = arith.constant 0 : i32
        %dma_start3A_164 = tpu.memref_slice %arg7[%rem3A_117, %dma_start3A_163] : memref<2x128xi32, #tpu.memory_space<vmem>> -> memref<1x128xi32, #tpu.memory_space<vmem>>
        %dma_start3A_165 = tpu.memref_squeeze %dma_start3A_164 : memref<1x128xi32, #tpu.memory_space<vmem>> -> memref<128xi32, #tpu.memory_space<vmem>>
        %dma_start3A_166 = tpu.memref_slice %arg2[%add3A_162] : memref<323584xi32, #tpu.memory_space<hbm>> -> memref<128xi32, #tpu.memory_space<hbm>>
        %dma_start3A_167 = tpu.memref_slice %arg11[%rem3A_117] : memref<2x!tpu.dma_semaphore, #tpu.memory_space<semaphore_mem>> -> memref<1x!tpu.dma_semaphore, #tpu.memory_space<semaphore_mem>>
        %dma_start3A_168 = tpu.memref_squeeze %dma_start3A_167 : memref<1x!tpu.dma_semaphore, #tpu.memory_space<semaphore_mem>> -> memref<!tpu.dma_semaphore, #tpu.memory_space<semaphore_mem>>
        %dma_start3A_169 = arith.constant 0 : i32
        %dma_start3A_170 = tpu.memref_slice %arg7[%rem3A_117, %dma_start3A_169] : memref<2x128xi32, #tpu.memory_space<vmem>> -> memref<1x128xi32, #tpu.memory_space<vmem>>
        %dma_start3A_171 = tpu.memref_squeeze %dma_start3A_170 : memref<1x128xi32, #tpu.memory_space<vmem>> -> memref<128xi32, #tpu.memory_space<vmem>>
        %dma_start3A_172 = tpu.memref_slice %arg2[%add3A_162] : memref<323584xi32, #tpu.memory_space<hbm>> -> memref<128xi32, #tpu.memory_space<hbm>>
        tpu.enqueue_dma source(%dma_start3A_172 : memref<128xi32, #tpu.memory_space<hbm>>) target(%dma_start3A_171 : memref<128xi32, #tpu.memory_space<vmem>>) target_semaphore(%dma_start3A_168 : memref<!tpu.dma_semaphore, #tpu.memory_space<semaphore_mem>>)
      } else {
      }
      %dma_start3A_146 = arith.constant 0 : i32
      %dma_start3A_147 = arith.constant 0 : i32
      %dma_start3A_148 = tpu.memref_slice %arg9[%rem3A_117, %dma_start3A_146, %dma_start3A_147] : memref<2x128x128xf32, #tpu.memory_space<vmem>> -> memref<1x128x128xf32, #tpu.memory_space<vmem>>
      %dma_start3A_149 = tpu.memref_squeeze %dma_start3A_148 : memref<1x128x128xf32, #tpu.memory_space<vmem>> -> memref<128x128xf32, #tpu.memory_space<vmem>>
      %dma_start3A_150 = arith.constant 0 : i32
      %dma_start3A_151 = tpu.memref_slice %arg8[%scan3A_116, %dma_start3A_150] : memref<79x128xi32, #tpu.memory_space<vmem>> -> memref<1x128xi32, #tpu.memory_space<vmem>>
      %dma_start3A_152 = tpu.memref_squeeze %dma_start3A_151 : memref<1x128xi32, #tpu.memory_space<vmem>> -> memref<128xi32, #tpu.memory_space<vmem>>
      %dma_start3A_153 = arith.constant 0 : i32
      %dma_start3A_154 = arith.constant 0 : i32
      %dma_start3A_155 = tpu.memref_slice %arg14[%dma_start3A_153, %dma_start3A_154] : memref<10240x128xf32, #tpu.memory_space<vmem_shared>> -> memref<10240x128xf32, #tpu.memory_space<vmem_shared>>
      %dma_start3A_156 = tpu.memref_slice %arg12[%rem3A_117] : memref<2x!tpu.dma_semaphore, #tpu.memory_space<semaphore_mem>> -> memref<1x!tpu.dma_semaphore, #tpu.memory_space<semaphore_mem>>
      %dma_start3A_157 = tpu.memref_squeeze %dma_start3A_156 : memref<1x!tpu.dma_semaphore, #tpu.memory_space<semaphore_mem>> -> memref<!tpu.dma_semaphore, #tpu.memory_space<semaphore_mem>>
      tpu.enqueue_indirect_dma source(%dma_start3A_149 : memref<128x128xf32, #tpu.memory_space<vmem>>) target(%dma_start3A_155 : memref<10240x128xf32, #tpu.memory_space<vmem_shared>>) offsets(%dma_start3A_152 : memref<128xi32, #tpu.memory_space<vmem>>) semaphore(%dma_start3A_157 : memref<!tpu.dma_semaphore, #tpu.memory_space<semaphore_mem>>) {add = true}
    }
    %scan3A_74 = arith.constant 79 : i32
    %dma_wait3A_75 = arith.constant 0 : i32
    %dma_wait3A_76 = arith.constant 0 : i32
    %dma_wait3A_77 = arith.constant 0 : i32
    %dma_wait3A_78 = arith.constant 0 : i32
    %dma_wait3A_79 = tpu.memref_slice %arg9[%dma_wait3A_75, %dma_wait3A_77, %dma_wait3A_78] : memref<2x128x128xf32, #tpu.memory_space<vmem>> -> memref<1x128x128xf32, #tpu.memory_space<vmem>>
    %dma_wait3A_80 = tpu.memref_squeeze %dma_wait3A_79 : memref<1x128x128xf32, #tpu.memory_space<vmem>> -> memref<128x128xf32, #tpu.memory_space<vmem>>
    %dma_wait3A_81 = arith.constant 0 : i32
    %dma_wait3A_82 = arith.constant 0 : i32
    %dma_wait3A_83 = tpu.memref_slice %arg5[%dma_wait3A_81, %dma_wait3A_82] : memref<10240x128xf32, #tpu.memory_space<hbm>> -> memref<128x128xf32, #tpu.memory_space<hbm>>
    %dma_wait3A_84 = tpu.memref_slice %arg12[%dma_wait3A_76] : memref<2x!tpu.dma_semaphore, #tpu.memory_space<semaphore_mem>> -> memref<1x!tpu.dma_semaphore, #tpu.memory_space<semaphore_mem>>
    %dma_wait3A_85 = tpu.memref_squeeze %dma_wait3A_84 : memref<1x!tpu.dma_semaphore, #tpu.memory_space<semaphore_mem>> -> memref<!tpu.dma_semaphore, #tpu.memory_space<semaphore_mem>>
    %dma_wait3A_86 = arith.constant 0 : i32
    %dma_wait3A_87 = arith.constant 0 : i32
    %dma_wait3A_88 = tpu.memref_slice %arg9[%dma_wait3A_75, %dma_wait3A_86, %dma_wait3A_87] : memref<2x128x128xf32, #tpu.memory_space<vmem>> -> memref<1x128x128xf32, #tpu.memory_space<vmem>>
    %dma_wait3A_89 = tpu.memref_squeeze %dma_wait3A_88 : memref<1x128x128xf32, #tpu.memory_space<vmem>> -> memref<128x128xf32, #tpu.memory_space<vmem>>
    %dma_wait3A_90 = arith.constant 0 : i32
    %dma_wait3A_91 = arith.constant 0 : i32
    %dma_wait3A_92 = tpu.memref_slice %arg5[%dma_wait3A_90, %dma_wait3A_91] : memref<10240x128xf32, #tpu.memory_space<hbm>> -> memref<128x128xf32, #tpu.memory_space<hbm>>
    tpu.wait_dma2 semaphore(%dma_wait3A_85 : memref<!tpu.dma_semaphore, #tpu.memory_space<semaphore_mem>>) src(%dma_wait3A_92 : memref<128x128xf32, #tpu.memory_space<hbm>>) dst(%dma_wait3A_89 : memref<128x128xf32, #tpu.memory_space<vmem>>)
    %dma_wait3A_93 = arith.constant 1 : i32
    %dma_wait3A_94 = arith.constant 1 : i32
    %dma_wait3A_95 = arith.constant 0 : i32
    %dma_wait3A_96 = arith.constant 0 : i32
    %dma_wait3A_97 = tpu.memref_slice %arg9[%dma_wait3A_93, %dma_wait3A_95, %dma_wait3A_96] : memref<2x128x128xf32, #tpu.memory_space<vmem>> -> memref<1x128x128xf32, #tpu.memory_space<vmem>>
    %dma_wait3A_98 = tpu.memref_squeeze %dma_wait3A_97 : memref<1x128x128xf32, #tpu.memory_space<vmem>> -> memref<128x128xf32, #tpu.memory_space<vmem>>
    %dma_wait3A_99 = arith.constant 0 : i32
    %dma_wait3A_100 = arith.constant 0 : i32
    %dma_wait3A_101 = tpu.memref_slice %arg5[%dma_wait3A_99, %dma_wait3A_100] : memref<10240x128xf32, #tpu.memory_space<hbm>> -> memref<128x128xf32, #tpu.memory_space<hbm>>
    %dma_wait3A_102 = tpu.memref_slice %arg12[%dma_wait3A_94] : memref<2x!tpu.dma_semaphore, #tpu.memory_space<semaphore_mem>> -> memref<1x!tpu.dma_semaphore, #tpu.memory_space<semaphore_mem>>
    %dma_wait3A_103 = tpu.memref_squeeze %dma_wait3A_102 : memref<1x!tpu.dma_semaphore, #tpu.memory_space<semaphore_mem>> -> memref<!tpu.dma_semaphore, #tpu.memory_space<semaphore_mem>>
    %dma_wait3A_104 = arith.constant 0 : i32
    %dma_wait3A_105 = arith.constant 0 : i32
    %dma_wait3A_106 = tpu.memref_slice %arg9[%dma_wait3A_93, %dma_wait3A_104, %dma_wait3A_105] : memref<2x128x128xf32, #tpu.memory_space<vmem>> -> memref<1x128x128xf32, #tpu.memory_space<vmem>>
    %dma_wait3A_107 = tpu.memref_squeeze %dma_wait3A_106 : memref<1x128x128xf32, #tpu.memory_space<vmem>> -> memref<128x128xf32, #tpu.memory_space<vmem>>
    %dma_wait3A_108 = arith.constant 0 : i32
    %dma_wait3A_109 = arith.constant 0 : i32
    %dma_wait3A_110 = tpu.memref_slice %arg5[%dma_wait3A_108, %dma_wait3A_109] : memref<10240x128xf32, #tpu.memory_space<hbm>> -> memref<128x128xf32, #tpu.memory_space<hbm>>
    tpu.wait_dma2 semaphore(%dma_wait3A_103 : memref<!tpu.dma_semaphore, #tpu.memory_space<semaphore_mem>>) src(%dma_wait3A_110 : memref<128x128xf32, #tpu.memory_space<hbm>>) dst(%dma_wait3A_107 : memref<128x128xf32, #tpu.memory_space<vmem>>)
    %barrier3A_111 = arith.constant 0 : index
    tpu.barrier barrier_id(%barrier3A_111)
    %mul3A_112 = arith.constant 640 : i32
    %mul3A_113 = arith.muli %arg1, %mul3A_112 : i32
    %mul3A_114 = arith.constant 640 : i32
    %mul3A_115 = arith.muli %arg1, %mul3A_114 : i32
    "tpu.region"() ({
      %run_scoped3A_116 = tpu.sem_alloc : memref<!tpu.dma_semaphore, #tpu.memory_space<semaphore_mem>>
      %dma_start3A_117 = arith.constant 0 : i32
      %dma_start3A_118 = tpu.memref_slice %arg6[%arg0, %mul3A_115, %dma_start3A_117] : memref<2x10240x128xf32, #tpu.memory_space<hbm>> -> memref<1x640x128xf32, #tpu.memory_space<hbm>>
      %dma_start3A_119 = tpu.memref_squeeze %dma_start3A_118 : memref<1x640x128xf32, #tpu.memory_space<hbm>> -> memref<640x128xf32, #tpu.memory_space<hbm>>
      %dma_start3A_120 = arith.constant 0 : i32
      %dma_start3A_121 = tpu.memref_slice %arg14[%mul3A_113, %dma_start3A_120] : memref<10240x128xf32, #tpu.memory_space<vmem_shared>> -> memref<640x128xf32, #tpu.memory_space<vmem_shared>>
      tpu.enqueue_dma source(%dma_start3A_121 : memref<640x128xf32, #tpu.memory_space<vmem_shared>>) target(%dma_start3A_119 : memref<640x128xf32, #tpu.memory_space<hbm>>) target_semaphore(%run_scoped3A_116 : memref<!tpu.dma_semaphore, #tpu.memory_space<semaphore_mem>>)
      %dma_wait3A_122 = arith.constant 0 : i32
      %dma_wait3A_123 = tpu.memref_slice %arg6[%arg0, %mul3A_115, %dma_wait3A_122] : memref<2x10240x128xf32, #tpu.memory_space<hbm>> -> memref<1x640x128xf32, #tpu.memory_space<hbm>>
      %dma_wait3A_124 = tpu.memref_squeeze %dma_wait3A_123 : memref<1x640x128xf32, #tpu.memory_space<hbm>> -> memref<640x128xf32, #tpu.memory_space<hbm>>
      %dma_wait3A_125 = arith.constant 0 : i32
      %dma_wait3A_126 = tpu.memref_slice %arg14[%mul3A_113, %dma_wait3A_125] : memref<10240x128xf32, #tpu.memory_space<vmem_shared>> -> memref<640x128xf32, #tpu.memory_space<vmem_shared>>
      tpu.wait_dma2 semaphore(%run_scoped3A_116 : memref<!tpu.dma_semaphore, #tpu.memory_space<semaphore_mem>>) src(%dma_wait3A_126 : memref<640x128xf32, #tpu.memory_space<vmem_shared>>) dst(%dma_wait3A_124 : memref<640x128xf32, #tpu.memory_space<hbm>>)
      tpu.yield
    }) : () -> ()
    return
  }
}

#map = affine_map<(d0, d1) -> (0)>
#map1 = affine_map<(d0, d1) -> (0, 0, 0)>
#map2 = affine_map<(d0, d1) -> (0, 0)>
module attributes {stable_mosaic.version = 14 : i64} {
  func.func @_agg_kernel(%arg0: i32, %arg1: i32, %arg2: memref<323584xi32, #tpu.memory_space<hbm>>, %arg3: memref<32x79x128xi32, #tpu.memory_space<hbm>>, %arg4: memref<10240x128xf32, #tpu.memory_space<hbm>>, %arg5: memref<10240x128xf32, #tpu.memory_space<hbm>>, %arg6: memref<2x10240x128xf32, #tpu.memory_space<hbm>>, %arg7: memref<2x128xi32, #tpu.memory_space<vmem>>, %arg8: memref<79x128xi32, #tpu.memory_space<vmem>>, %arg9: memref<2x128x128xf32, #tpu.memory_space<vmem>>, %arg10: memref<2x!tpu.dma_semaphore, #tpu.memory_space<semaphore_mem>>, %arg11: memref<2x!tpu.dma_semaphore, #tpu.memory_space<semaphore_mem>>, %arg12: memref<2x!tpu.dma_semaphore, #tpu.memory_space<semaphore_mem>>, %arg13: memref<2x!tpu.dma_semaphore, #tpu.memory_space<semaphore_mem>>, %arg14: memref<10240x128xf32, #tpu.memory_space<vmem_shared>>) attributes {dimension_semantics = [#tpu.dimension_semantics<core_parallel>, #tpu.dimension_semantics<subcore_parallel>], iteration_bounds = array<i64: 2, 16>, scalar_prefetch = 0 : i64, scratch_operands = 8 : i64, tpu.core_type = #tpu.core_type<sc_vector_subcore>, window_params = [{transform_indices = #map}, {transform_indices = #map1}, {transform_indices = #map2}, {transform_indices = #map2}, {transform_indices = #map1}]} {
    %mul3A = arith.constant 16 : i32
    %mul3A_0 = arith.muli %arg0, %mul3A : i32
    %add3A = arith.addi %mul3A_0, %arg1 : i32
    %mul3A_1 = arith.constant 10112 : i32
    %mul3A_2 = arith.muli %add3A, %mul3A_1 : i32
    %dma_start3A = arith.constant 0 : i32
    %dma_start3A_3 = arith.constant 0 : i32
    %dma_start3A_4 = arith.constant 0 : i32
    %dma_start3A_5 = tpu.memref_slice %arg3[%add3A, %dma_start3A_3, %dma_start3A_4] : memref<32x79x128xi32, #tpu.memory_space<hbm>> -> memref<1x79x128xi32, #tpu.memory_space<hbm>>
    %dma_start3A_6 = tpu.memref_squeeze %dma_start3A_5 : memref<1x79x128xi32, #tpu.memory_space<hbm>> -> memref<79x128xi32, #tpu.memory_space<hbm>>
    %dma_start3A_7 = tpu.memref_slice %arg13[%dma_start3A] : memref<2x!tpu.dma_semaphore, #tpu.memory_space<semaphore_mem>> -> memref<1x!tpu.dma_semaphore, #tpu.memory_space<semaphore_mem>>
    %dma_start3A_8 = tpu.memref_squeeze %dma_start3A_7 : memref<1x!tpu.dma_semaphore, #tpu.memory_space<semaphore_mem>> -> memref<!tpu.dma_semaphore, #tpu.memory_space<semaphore_mem>>
    %dma_start3A_9 = arith.constant 0 : i32
    %dma_start3A_10 = arith.constant 0 : i32
    %dma_start3A_11 = tpu.memref_slice %arg3[%add3A, %dma_start3A_9, %dma_start3A_10] : memref<32x79x128xi32, #tpu.memory_space<hbm>> -> memref<1x79x128xi32, #tpu.memory_space<hbm>>
    %dma_start3A_12 = tpu.memref_squeeze %dma_start3A_11 : memref<1x79x128xi32, #tpu.memory_space<hbm>> -> memref<79x128xi32, #tpu.memory_space<hbm>>
    tpu.enqueue_dma source(%dma_start3A_12 : memref<79x128xi32, #tpu.memory_space<hbm>>) target(%arg8 : memref<79x128xi32, #tpu.memory_space<vmem>>) target_semaphore(%dma_start3A_8 : memref<!tpu.dma_semaphore, #tpu.memory_space<semaphore_mem>>)
    %mul3A_13 = arith.constant 640 : i32
    %mul3A_14 = arith.muli %arg1, %mul3A_13 : i32
    %mul3A_15 = arith.constant 640 : i32
    %mul3A_16 = arith.muli %arg1, %mul3A_15 : i32
    %dma_start3A_17 = arith.constant 1 : i32
    %dma_start3A_18 = tpu.memref_slice %arg13[%dma_start3A_17] : memref<2x!tpu.dma_semaphore, #tpu.memory_space<semaphore_mem>> -> memref<1x!tpu.dma_semaphore, #tpu.memory_space<semaphore_mem>>
    %dma_start3A_19 = tpu.memref_squeeze %dma_start3A_18 : memref<1x!tpu.dma_semaphore, #tpu.memory_space<semaphore_mem>> -> memref<!tpu.dma_semaphore, #tpu.memory_space<semaphore_mem>>
    %dma_start3A_20 = arith.constant 0 : i32
    %dma_start3A_21 = tpu.memref_slice %arg14[%mul3A_16, %dma_start3A_20] : memref<10240x128xf32, #tpu.memory_space<vmem_shared>> -> memref<640x128xf32, #tpu.memory_space<vmem_shared>>
    %dma_start3A_22 = arith.constant 0 : i32
    %dma_start3A_23 = tpu.memref_slice %arg5[%mul3A_14, %dma_start3A_22] : memref<10240x128xf32, #tpu.memory_space<hbm>> -> memref<640x128xf32, #tpu.memory_space<hbm>>
    tpu.enqueue_dma source(%dma_start3A_23 : memref<640x128xf32, #tpu.memory_space<hbm>>) target(%dma_start3A_21 : memref<640x128xf32, #tpu.memory_space<vmem_shared>>) target_semaphore(%dma_start3A_19 : memref<!tpu.dma_semaphore, #tpu.memory_space<semaphore_mem>>)
    %run_scoped3A = arith.constant 0 : i32
    "tpu.region"() ({
      %run_scoped3A_116 = tpu.sem_alloc : memref<!tpu.dma_semaphore, #tpu.memory_space<semaphore_mem>>
      %dma_start3A_117 = arith.constant 0 : i32
      %dma_start3A_118 = tpu.memref_slice %arg7[%run_scoped3A, %dma_start3A_117] : memref<2x128xi32, #tpu.memory_space<vmem>> -> memref<1x128xi32, #tpu.memory_space<vmem>>
      %dma_start3A_119 = tpu.memref_squeeze %dma_start3A_118 : memref<1x128xi32, #tpu.memory_space<vmem>> -> memref<128xi32, #tpu.memory_space<vmem>>
      %dma_start3A_120 = tpu.memref_slice %arg2[%mul3A_2] : memref<323584xi32, #tpu.memory_space<hbm>> -> memref<128xi32, #tpu.memory_space<hbm>>
      %dma_start3A_121 = arith.constant 0 : i32
      %dma_start3A_122 = tpu.memref_slice %arg7[%run_scoped3A, %dma_start3A_121] : memref<2x128xi32, #tpu.memory_space<vmem>> -> memref<1x128xi32, #tpu.memory_space<vmem>>
      %dma_start3A_123 = tpu.memref_squeeze %dma_start3A_122 : memref<1x128xi32, #tpu.memory_space<vmem>> -> memref<128xi32, #tpu.memory_space<vmem>>
      %dma_start3A_124 = tpu.memref_slice %arg2[%mul3A_2] : memref<323584xi32, #tpu.memory_space<hbm>> -> memref<128xi32, #tpu.memory_space<hbm>>
      tpu.enqueue_dma source(%dma_start3A_124 : memref<128xi32, #tpu.memory_space<hbm>>) target(%dma_start3A_123 : memref<128xi32, #tpu.memory_space<vmem>>) target_semaphore(%run_scoped3A_116 : memref<!tpu.dma_semaphore, #tpu.memory_space<semaphore_mem>>)
      %dma_wait3A_125 = arith.constant 0 : i32
      %dma_wait3A_126 = tpu.memref_slice %arg7[%run_scoped3A, %dma_wait3A_125] : memref<2x128xi32, #tpu.memory_space<vmem>> -> memref<1x128xi32, #tpu.memory_space<vmem>>
      %dma_wait3A_127 = tpu.memref_squeeze %dma_wait3A_126 : memref<1x128xi32, #tpu.memory_space<vmem>> -> memref<128xi32, #tpu.memory_space<vmem>>
      %dma_wait3A_128 = tpu.memref_slice %arg2[%mul3A_2] : memref<323584xi32, #tpu.memory_space<hbm>> -> memref<128xi32, #tpu.memory_space<hbm>>
      %dma_wait3A_129 = arith.constant 0 : i32
      %dma_wait3A_130 = tpu.memref_slice %arg7[%run_scoped3A, %dma_wait3A_129] : memref<2x128xi32, #tpu.memory_space<vmem>> -> memref<1x128xi32, #tpu.memory_space<vmem>>
      %dma_wait3A_131 = tpu.memref_squeeze %dma_wait3A_130 : memref<1x128xi32, #tpu.memory_space<vmem>> -> memref<128xi32, #tpu.memory_space<vmem>>
      %dma_wait3A_132 = tpu.memref_slice %arg2[%mul3A_2] : memref<323584xi32, #tpu.memory_space<hbm>> -> memref<128xi32, #tpu.memory_space<hbm>>
      tpu.wait_dma2 semaphore(%run_scoped3A_116 : memref<!tpu.dma_semaphore, #tpu.memory_space<semaphore_mem>>) src(%dma_wait3A_132 : memref<128xi32, #tpu.memory_space<hbm>>) dst(%dma_wait3A_131 : memref<128xi32, #tpu.memory_space<vmem>>)
      tpu.yield
    }) : () -> ()
    %dma_start3A_24 = arith.constant 0 : i32
    %dma_start3A_25 = arith.constant 0 : i32
    %dma_start3A_26 = arith.constant 0 : i32
    %dma_start3A_27 = arith.constant 0 : i32
    %dma_start3A_28 = arith.constant 0 : i32
    %dma_start3A_29 = tpu.memref_slice %arg9[%dma_start3A_25, %dma_start3A_27, %dma_start3A_28] : memref<2x128x128xf32, #tpu.memory_space<vmem>> -> memref<1x128x128xf32, #tpu.memory_space<vmem>>
    %dma_start3A_30 = tpu.memref_squeeze %dma_start3A_29 : memref<1x128x128xf32, #tpu.memory_space<vmem>> -> memref<128x128xf32, #tpu.memory_space<vmem>>
    %dma_start3A_31 = arith.constant 0 : i32
    %dma_start3A_32 = tpu.memref_slice %arg7[%dma_start3A_24, %dma_start3A_31] : memref<2x128xi32, #tpu.memory_space<vmem>> -> memref<1x128xi32, #tpu.memory_space<vmem>>
    %dma_start3A_33 = tpu.memref_squeeze %dma_start3A_32 : memref<1x128xi32, #tpu.memory_space<vmem>> -> memref<128xi32, #tpu.memory_space<vmem>>
    %dma_start3A_34 = arith.constant 0 : i32
    %dma_start3A_35 = arith.constant 0 : i32
    %dma_start3A_36 = tpu.memref_slice %arg4[%dma_start3A_34, %dma_start3A_35] : memref<10240x128xf32, #tpu.memory_space<hbm>> -> memref<10240x128xf32, #tpu.memory_space<hbm>>
    %dma_start3A_37 = tpu.memref_slice %arg10[%dma_start3A_26] : memref<2x!tpu.dma_semaphore, #tpu.memory_space<semaphore_mem>> -> memref<1x!tpu.dma_semaphore, #tpu.memory_space<semaphore_mem>>
    %dma_start3A_38 = tpu.memref_squeeze %dma_start3A_37 : memref<1x!tpu.dma_semaphore, #tpu.memory_space<semaphore_mem>> -> memref<!tpu.dma_semaphore, #tpu.memory_space<semaphore_mem>>
    tpu.enqueue_indirect_dma source(%dma_start3A_36 : memref<10240x128xf32, #tpu.memory_space<hbm>>) target(%dma_start3A_30 : memref<128x128xf32, #tpu.memory_space<vmem>>) offsets(%dma_start3A_33 : memref<128xi32, #tpu.memory_space<vmem>>) semaphore(%dma_start3A_38 : memref<!tpu.dma_semaphore, #tpu.memory_space<semaphore_mem>>)
    %add3A_39 = arith.constant 128 : i32
    %add3A_40 = arith.addi %mul3A_2, %add3A_39 : i32
    %dma_start3A_41 = arith.constant 1 : i32
    %dma_start3A_42 = arith.constant 1 : i32
    %dma_start3A_43 = arith.constant 0 : i32
    %dma_start3A_44 = tpu.memref_slice %arg7[%dma_start3A_41, %dma_start3A_43] : memref<2x128xi32, #tpu.memory_space<vmem>> -> memref<1x128xi32, #tpu.memory_space<vmem>>
    %dma_start3A_45 = tpu.memref_squeeze %dma_start3A_44 : memref<1x128xi32, #tpu.memory_space<vmem>> -> memref<128xi32, #tpu.memory_space<vmem>>
    %dma_start3A_46 = tpu.memref_slice %arg2[%add3A_40] : memref<323584xi32, #tpu.memory_space<hbm>> -> memref<128xi32, #tpu.memory_space<hbm>>
    %dma_start3A_47 = tpu.memref_slice %arg11[%dma_start3A_42] : memref<2x!tpu.dma_semaphore, #tpu.memory_space<semaphore_mem>> -> memref<1x!tpu.dma_semaphore, #tpu.memory_space<semaphore_mem>>
    %dma_start3A_48 = tpu.memref_squeeze %dma_start3A_47 : memref<1x!tpu.dma_semaphore, #tpu.memory_space<semaphore_mem>> -> memref<!tpu.dma_semaphore, #tpu.memory_space<semaphore_mem>>
    %dma_start3A_49 = arith.constant 0 : i32
    %dma_start3A_50 = tpu.memref_slice %arg7[%dma_start3A_41, %dma_start3A_49] : memref<2x128xi32, #tpu.memory_space<vmem>> -> memref<1x128xi32, #tpu.memory_space<vmem>>
    %dma_start3A_51 = tpu.memref_squeeze %dma_start3A_50 : memref<1x128xi32, #tpu.memory_space<vmem>> -> memref<128xi32, #tpu.memory_space<vmem>>
    %dma_start3A_52 = tpu.memref_slice %arg2[%add3A_40] : memref<323584xi32, #tpu.memory_space<hbm>> -> memref<128xi32, #tpu.memory_space<hbm>>
    tpu.enqueue_dma source(%dma_start3A_52 : memref<128xi32, #tpu.memory_space<hbm>>) target(%dma_start3A_51 : memref<128xi32, #tpu.memory_space<vmem>>) target_semaphore(%dma_start3A_48 : memref<!tpu.dma_semaphore, #tpu.memory_space<semaphore_mem>>)
    %dma_wait3A = arith.constant 0 : i32
    %dma_wait3A_53 = arith.constant 0 : i32
    %dma_wait3A_54 = arith.constant 0 : i32
    %dma_wait3A_55 = tpu.memref_slice %arg3[%add3A, %dma_wait3A_53, %dma_wait3A_54] : memref<32x79x128xi32, #tpu.memory_space<hbm>> -> memref<1x79x128xi32, #tpu.memory_space<hbm>>
    %dma_wait3A_56 = tpu.memref_squeeze %dma_wait3A_55 : memref<1x79x128xi32, #tpu.memory_space<hbm>> -> memref<79x128xi32, #tpu.memory_space<hbm>>
    %dma_wait3A_57 = tpu.memref_slice %arg13[%dma_wait3A] : memref<2x!tpu.dma_semaphore, #tpu.memory_space<semaphore_mem>> -> memref<1x!tpu.dma_semaphore, #tpu.memory_space<semaphore_mem>>
    %dma_wait3A_58 = tpu.memref_squeeze %dma_wait3A_57 : memref<1x!tpu.dma_semaphore, #tpu.memory_space<semaphore_mem>> -> memref<!tpu.dma_semaphore, #tpu.memory_space<semaphore_mem>>
    %dma_wait3A_59 = arith.constant 0 : i32
    %dma_wait3A_60 = arith.constant 0 : i32
    %dma_wait3A_61 = tpu.memref_slice %arg3[%add3A, %dma_wait3A_59, %dma_wait3A_60] : memref<32x79x128xi32, #tpu.memory_space<hbm>> -> memref<1x79x128xi32, #tpu.memory_space<hbm>>
    %dma_wait3A_62 = tpu.memref_squeeze %dma_wait3A_61 : memref<1x79x128xi32, #tpu.memory_space<hbm>> -> memref<79x128xi32, #tpu.memory_space<hbm>>
    tpu.wait_dma2 semaphore(%dma_wait3A_58 : memref<!tpu.dma_semaphore, #tpu.memory_space<semaphore_mem>>) src(%dma_wait3A_62 : memref<79x128xi32, #tpu.memory_space<hbm>>) dst(%arg8 : memref<79x128xi32, #tpu.memory_space<vmem>>)
    %dma_wait3A_63 = arith.constant 1 : i32
    %dma_wait3A_64 = tpu.memref_slice %arg13[%dma_wait3A_63] : memref<2x!tpu.dma_semaphore, #tpu.memory_space<semaphore_mem>> -> memref<1x!tpu.dma_semaphore, #tpu.memory_space<semaphore_mem>>
    %dma_wait3A_65 = tpu.memref_squeeze %dma_wait3A_64 : memref<1x!tpu.dma_semaphore, #tpu.memory_space<semaphore_mem>> -> memref<!tpu.dma_semaphore, #tpu.memory_space<semaphore_mem>>
    %dma_wait3A_66 = arith.constant 0 : i32
    %dma_wait3A_67 = tpu.memref_slice %arg14[%mul3A_16, %dma_wait3A_66] : memref<10240x128xf32, #tpu.memory_space<vmem_shared>> -> memref<640x128xf32, #tpu.memory_space<vmem_shared>>
    %dma_wait3A_68 = arith.constant 0 : i32
    %dma_wait3A_69 = tpu.memref_slice %arg5[%mul3A_14, %dma_wait3A_68] : memref<10240x128xf32, #tpu.memory_space<hbm>> -> memref<640x128xf32, #tpu.memory_space<hbm>>
    tpu.wait_dma2 semaphore(%dma_wait3A_65 : memref<!tpu.dma_semaphore, #tpu.memory_space<semaphore_mem>>) src(%dma_wait3A_69 : memref<640x128xf32, #tpu.memory_space<hbm>>) dst(%dma_wait3A_67 : memref<640x128xf32, #tpu.memory_space<vmem_shared>>)
    %barrier3A = arith.constant 0 : index
    tpu.barrier barrier_id(%barrier3A)
    %scan3A = arith.constant 0 : i32
    %scan3A_70 = arith.constant 0 : i32
    %scan3A_71 = arith.constant 79 : i32
    %scan3A_72 = arith.addi %scan3A_70, %scan3A_71 : i32
    %scan3A_73 = arith.constant 1 : i32
    scf.for %scan3A_116 = %scan3A_70 to %scan3A_72 step %scan3A_73  : i32 {
      %rem3A = arith.constant 2 : i32
      %rem3A_117 = arith.remsi %scan3A_116, %rem3A : i32
      %sub3A = arith.constant 1 : i32
      %sub3A_118 = arith.subi %sub3A, %rem3A_117 : i32
      %add3A_119 = arith.constant 1 : i32
      %add3A_120 = arith.addi %scan3A_116, %add3A_119 : i32
      %lt3A = arith.constant 79 : i32
      %lt3A_121 = arith.cmpi slt, %add3A_120, %lt3A : i32
      %convert_element_type3A = arith.extui %lt3A_121 : i1 to i32
      %cond3A = arith.constant 0 : i32
      %cond3A_122 = arith.cmpi ne, %convert_element_type3A, %cond3A : i32
      scf.if %cond3A_122 {
        %dma_wait3A_158 = arith.constant 0 : i32
        %dma_wait3A_159 = tpu.memref_slice %arg7[%sub3A_118, %dma_wait3A_158] : memref<2x128xi32, #tpu.memory_space<vmem>> -> memref<1x128xi32, #tpu.memory_space<vmem>>
        %dma_wait3A_160 = tpu.memref_squeeze %dma_wait3A_159 : memref<1x128xi32, #tpu.memory_space<vmem>> -> memref<128xi32, #tpu.memory_space<vmem>>
        %dma_wait3A_161 = tpu.memref_slice %arg2[%mul3A_2] : memref<323584xi32, #tpu.memory_space<hbm>> -> memref<128xi32, #tpu.memory_space<hbm>>
        %dma_wait3A_162 = tpu.memref_slice %arg11[%sub3A_118] : memref<2x!tpu.dma_semaphore, #tpu.memory_space<semaphore_mem>> -> memref<1x!tpu.dma_semaphore, #tpu.memory_space<semaphore_mem>>
        %dma_wait3A_163 = tpu.memref_squeeze %dma_wait3A_162 : memref<1x!tpu.dma_semaphore, #tpu.memory_space<semaphore_mem>> -> memref<!tpu.dma_semaphore, #tpu.memory_space<semaphore_mem>>
        %dma_wait3A_164 = arith.constant 0 : i32
        %dma_wait3A_165 = tpu.memref_slice %arg7[%sub3A_118, %dma_wait3A_164] : memref<2x128xi32, #tpu.memory_space<vmem>> -> memref<1x128xi32, #tpu.memory_space<vmem>>
        %dma_wait3A_166 = tpu.memref_squeeze %dma_wait3A_165 : memref<1x128xi32, #tpu.memory_space<vmem>> -> memref<128xi32, #tpu.memory_space<vmem>>
        %dma_wait3A_167 = tpu.memref_slice %arg2[%mul3A_2] : memref<323584xi32, #tpu.memory_space<hbm>> -> memref<128xi32, #tpu.memory_space<hbm>>
        tpu.wait_dma2 semaphore(%dma_wait3A_163 : memref<!tpu.dma_semaphore, #tpu.memory_space<semaphore_mem>>) src(%dma_wait3A_167 : memref<128xi32, #tpu.memory_space<hbm>>) dst(%dma_wait3A_166 : memref<128xi32, #tpu.memory_space<vmem>>)
        %ge3A = arith.constant 1 : i32
        %ge3A_168 = arith.cmpi sge, %scan3A_116, %ge3A : i32
        %convert_element_type3A_169 = arith.extui %ge3A_168 : i1 to i32
        %cond3A_170 = arith.constant 0 : i32
        %cond3A_171 = arith.cmpi ne, %convert_element_type3A_169, %cond3A_170 : i32
        scf.if %cond3A_171 {
          %dma_wait3A_184 = arith.constant 0 : i32
          %dma_wait3A_185 = arith.constant 0 : i32
          %dma_wait3A_186 = tpu.memref_slice %arg9[%sub3A_118, %dma_wait3A_184, %dma_wait3A_185] : memref<2x128x128xf32, #tpu.memory_space<vmem>> -> memref<1x128x128xf32, #tpu.memory_space<vmem>>
          %dma_wait3A_187 = tpu.memref_squeeze %dma_wait3A_186 : memref<1x128x128xf32, #tpu.memory_space<vmem>> -> memref<128x128xf32, #tpu.memory_space<vmem>>
          %dma_wait3A_188 = arith.constant 0 : i32
          %dma_wait3A_189 = arith.constant 0 : i32
          %dma_wait3A_190 = tpu.memref_slice %arg5[%dma_wait3A_188, %dma_wait3A_189] : memref<10240x128xf32, #tpu.memory_space<hbm>> -> memref<128x128xf32, #tpu.memory_space<hbm>>
          %dma_wait3A_191 = tpu.memref_slice %arg12[%sub3A_118] : memref<2x!tpu.dma_semaphore, #tpu.memory_space<semaphore_mem>> -> memref<1x!tpu.dma_semaphore, #tpu.memory_space<semaphore_mem>>
          %dma_wait3A_192 = tpu.memref_squeeze %dma_wait3A_191 : memref<1x!tpu.dma_semaphore, #tpu.memory_space<semaphore_mem>> -> memref<!tpu.dma_semaphore, #tpu.memory_space<semaphore_mem>>
          %dma_wait3A_193 = arith.constant 0 : i32
          %dma_wait3A_194 = arith.constant 0 : i32
          %dma_wait3A_195 = tpu.memref_slice %arg9[%sub3A_118, %dma_wait3A_193, %dma_wait3A_194] : memref<2x128x128xf32, #tpu.memory_space<vmem>> -> memref<1x128x128xf32, #tpu.memory_space<vmem>>
          %dma_wait3A_196 = tpu.memref_squeeze %dma_wait3A_195 : memref<1x128x128xf32, #tpu.memory_space<vmem>> -> memref<128x128xf32, #tpu.memory_space<vmem>>
          %dma_wait3A_197 = arith.constant 0 : i32
          %dma_wait3A_198 = arith.constant 0 : i32
          %dma_wait3A_199 = tpu.memref_slice %arg5[%dma_wait3A_197, %dma_wait3A_198] : memref<10240x128xf32, #tpu.memory_space<hbm>> -> memref<128x128xf32, #tpu.memory_space<hbm>>
          tpu.wait_dma2 semaphore(%dma_wait3A_192 : memref<!tpu.dma_semaphore, #tpu.memory_space<semaphore_mem>>) src(%dma_wait3A_199 : memref<128x128xf32, #tpu.memory_space<hbm>>) dst(%dma_wait3A_196 : memref<128x128xf32, #tpu.memory_space<vmem>>)
        } else {
        }
        %dma_start3A_172 = arith.constant 0 : i32
        %dma_start3A_173 = arith.constant 0 : i32
        %dma_start3A_174 = tpu.memref_slice %arg9[%sub3A_118, %dma_start3A_172, %dma_start3A_173] : memref<2x128x128xf32, #tpu.memory_space<vmem>> -> memref<1x128x128xf32, #tpu.memory_space<vmem>>
        %dma_start3A_175 = tpu.memref_squeeze %dma_start3A_174 : memref<1x128x128xf32, #tpu.memory_space<vmem>> -> memref<128x128xf32, #tpu.memory_space<vmem>>
        %dma_start3A_176 = arith.constant 0 : i32
        %dma_start3A_177 = tpu.memref_slice %arg7[%sub3A_118, %dma_start3A_176] : memref<2x128xi32, #tpu.memory_space<vmem>> -> memref<1x128xi32, #tpu.memory_space<vmem>>
        %dma_start3A_178 = tpu.memref_squeeze %dma_start3A_177 : memref<1x128xi32, #tpu.memory_space<vmem>> -> memref<128xi32, #tpu.memory_space<vmem>>
        %dma_start3A_179 = arith.constant 0 : i32
        %dma_start3A_180 = arith.constant 0 : i32
        %dma_start3A_181 = tpu.memref_slice %arg4[%dma_start3A_179, %dma_start3A_180] : memref<10240x128xf32, #tpu.memory_space<hbm>> -> memref<10240x128xf32, #tpu.memory_space<hbm>>
        %dma_start3A_182 = tpu.memref_slice %arg10[%sub3A_118] : memref<2x!tpu.dma_semaphore, #tpu.memory_space<semaphore_mem>> -> memref<1x!tpu.dma_semaphore, #tpu.memory_space<semaphore_mem>>
        %dma_start3A_183 = tpu.memref_squeeze %dma_start3A_182 : memref<1x!tpu.dma_semaphore, #tpu.memory_space<semaphore_mem>> -> memref<!tpu.dma_semaphore, #tpu.memory_space<semaphore_mem>>
        tpu.enqueue_indirect_dma source(%dma_start3A_181 : memref<10240x128xf32, #tpu.memory_space<hbm>>) target(%dma_start3A_175 : memref<128x128xf32, #tpu.memory_space<vmem>>) offsets(%dma_start3A_178 : memref<128xi32, #tpu.memory_space<vmem>>) semaphore(%dma_start3A_183 : memref<!tpu.dma_semaphore, #tpu.memory_space<semaphore_mem>>)
      } else {
      }
      %dma_wait3A_123 = arith.constant 0 : i32
      %dma_wait3A_124 = arith.constant 0 : i32
      %dma_wait3A_125 = tpu.memref_slice %arg9[%rem3A_117, %dma_wait3A_123, %dma_wait3A_124] : memref<2x128x128xf32, #tpu.memory_space<vmem>> -> memref<1x128x128xf32, #tpu.memory_space<vmem>>
      %dma_wait3A_126 = tpu.memref_squeeze %dma_wait3A_125 : memref<1x128x128xf32, #tpu.memory_space<vmem>> -> memref<128x128xf32, #tpu.memory_space<vmem>>
      %dma_wait3A_127 = arith.constant 0 : i32
      %dma_wait3A_128 = arith.constant 0 : i32
      %dma_wait3A_129 = tpu.memref_slice %arg5[%dma_wait3A_127, %dma_wait3A_128] : memref<10240x128xf32, #tpu.memory_space<hbm>> -> memref<128x128xf32, #tpu.memory_space<hbm>>
      %dma_wait3A_130 = tpu.memref_slice %arg10[%rem3A_117] : memref<2x!tpu.dma_semaphore, #tpu.memory_space<semaphore_mem>> -> memref<1x!tpu.dma_semaphore, #tpu.memory_space<semaphore_mem>>
      %dma_wait3A_131 = tpu.memref_squeeze %dma_wait3A_130 : memref<1x!tpu.dma_semaphore, #tpu.memory_space<semaphore_mem>> -> memref<!tpu.dma_semaphore, #tpu.memory_space<semaphore_mem>>
      %dma_wait3A_132 = arith.constant 0 : i32
      %dma_wait3A_133 = arith.constant 0 : i32
      %dma_wait3A_134 = tpu.memref_slice %arg9[%rem3A_117, %dma_wait3A_132, %dma_wait3A_133] : memref<2x128x128xf32, #tpu.memory_space<vmem>> -> memref<1x128x128xf32, #tpu.memory_space<vmem>>
      %dma_wait3A_135 = tpu.memref_squeeze %dma_wait3A_134 : memref<1x128x128xf32, #tpu.memory_space<vmem>> -> memref<128x128xf32, #tpu.memory_space<vmem>>
      %dma_wait3A_136 = arith.constant 0 : i32
      %dma_wait3A_137 = arith.constant 0 : i32
      %dma_wait3A_138 = tpu.memref_slice %arg5[%dma_wait3A_136, %dma_wait3A_137] : memref<10240x128xf32, #tpu.memory_space<hbm>> -> memref<128x128xf32, #tpu.memory_space<hbm>>
      tpu.wait_dma2 semaphore(%dma_wait3A_131 : memref<!tpu.dma_semaphore, #tpu.memory_space<semaphore_mem>>) src(%dma_wait3A_138 : memref<128x128xf32, #tpu.memory_space<hbm>>) dst(%dma_wait3A_135 : memref<128x128xf32, #tpu.memory_space<vmem>>)
      %add3A_139 = arith.constant 2 : i32
      %add3A_140 = arith.addi %scan3A_116, %add3A_139 : i32
      %lt3A_141 = arith.constant 79 : i32
      %lt3A_142 = arith.cmpi slt, %add3A_140, %lt3A_141 : i32
      %convert_element_type3A_143 = arith.extui %lt3A_142 : i1 to i32
      %cond3A_144 = arith.constant 0 : i32
      %cond3A_145 = arith.cmpi ne, %convert_element_type3A_143, %cond3A_144 : i32
      scf.if %cond3A_145 {
        %add3A_158 = arith.constant 2 : i32
        %add3A_159 = arith.addi %scan3A_116, %add3A_158 : i32
        %mul3A_160 = arith.constant 128 : i32
        %mul3A_161 = arith.muli %add3A_159, %mul3A_160 : i32
        %add3A_162 = arith.addi %mul3A_2, %mul3A_161 : i32
        %dma_start3A_163 = arith.constant 0 : i32
        %dma_start3A_164 = tpu.memref_slice %arg7[%rem3A_117, %dma_start3A_163] : memref<2x128xi32, #tpu.memory_space<vmem>> -> memref<1x128xi32, #tpu.memory_space<vmem>>
        %dma_start3A_165 = tpu.memref_squeeze %dma_start3A_164 : memref<1x128xi32, #tpu.memory_space<vmem>> -> memref<128xi32, #tpu.memory_space<vmem>>
        %dma_start3A_166 = tpu.memref_slice %arg2[%add3A_162] : memref<323584xi32, #tpu.memory_space<hbm>> -> memref<128xi32, #tpu.memory_space<hbm>>
        %dma_start3A_167 = tpu.memref_slice %arg11[%rem3A_117] : memref<2x!tpu.dma_semaphore, #tpu.memory_space<semaphore_mem>> -> memref<1x!tpu.dma_semaphore, #tpu.memory_space<semaphore_mem>>
        %dma_start3A_168 = tpu.memref_squeeze %dma_start3A_167 : memref<1x!tpu.dma_semaphore, #tpu.memory_space<semaphore_mem>> -> memref<!tpu.dma_semaphore, #tpu.memory_space<semaphore_mem>>
        %dma_start3A_169 = arith.constant 0 : i32
        %dma_start3A_170 = tpu.memref_slice %arg7[%rem3A_117, %dma_start3A_169] : memref<2x128xi32, #tpu.memory_space<vmem>> -> memref<1x128xi32, #tpu.memory_space<vmem>>
        %dma_start3A_171 = tpu.memref_squeeze %dma_start3A_170 : memref<1x128xi32, #tpu.memory_space<vmem>> -> memref<128xi32, #tpu.memory_space<vmem>>
        %dma_start3A_172 = tpu.memref_slice %arg2[%add3A_162] : memref<323584xi32, #tpu.memory_space<hbm>> -> memref<128xi32, #tpu.memory_space<hbm>>
        tpu.enqueue_dma source(%dma_start3A_172 : memref<128xi32, #tpu.memory_space<hbm>>) target(%dma_start3A_171 : memref<128xi32, #tpu.memory_space<vmem>>) target_semaphore(%dma_start3A_168 : memref<!tpu.dma_semaphore, #tpu.memory_space<semaphore_mem>>)
      } else {
      }
      %dma_start3A_146 = arith.constant 0 : i32
      %dma_start3A_147 = arith.constant 0 : i32
      %dma_start3A_148 = tpu.memref_slice %arg9[%rem3A_117, %dma_start3A_146, %dma_start3A_147] : memref<2x128x128xf32, #tpu.memory_space<vmem>> -> memref<1x128x128xf32, #tpu.memory_space<vmem>>
      %dma_start3A_149 = tpu.memref_squeeze %dma_start3A_148 : memref<1x128x128xf32, #tpu.memory_space<vmem>> -> memref<128x128xf32, #tpu.memory_space<vmem>>
      %dma_start3A_150 = arith.constant 0 : i32
      %dma_start3A_151 = tpu.memref_slice %arg8[%scan3A_116, %dma_start3A_150] : memref<79x128xi32, #tpu.memory_space<vmem>> -> memref<1x128xi32, #tpu.memory_space<vmem>>
      %dma_start3A_152 = tpu.memref_squeeze %dma_start3A_151 : memref<1x128xi32, #tpu.memory_space<vmem>> -> memref<128xi32, #tpu.memory_space<vmem>>
      %dma_start3A_153 = arith.constant 0 : i32
      %dma_start3A_154 = arith.constant 0 : i32
      %dma_start3A_155 = tpu.memref_slice %arg14[%dma_start3A_153, %dma_start3A_154] : memref<10240x128xf32, #tpu.memory_space<vmem_shared>> -> memref<10240x128xf32, #tpu.memory_space<vmem_shared>>
      %dma_start3A_156 = tpu.memref_slice %arg12[%rem3A_117] : memref<2x!tpu.dma_semaphore, #tpu.memory_space<semaphore_mem>> -> memref<1x!tpu.dma_semaphore, #tpu.memory_space<semaphore_mem>>
      %dma_start3A_157 = tpu.memref_squeeze %dma_start3A_156 : memref<1x!tpu.dma_semaphore, #tpu.memory_space<semaphore_mem>> -> memref<!tpu.dma_semaphore, #tpu.memory_space<semaphore_mem>>
      tpu.enqueue_indirect_dma source(%dma_start3A_149 : memref<128x128xf32, #tpu.memory_space<vmem>>) target(%dma_start3A_155 : memref<10240x128xf32, #tpu.memory_space<vmem_shared>>) offsets(%dma_start3A_152 : memref<128xi32, #tpu.memory_space<vmem>>) semaphore(%dma_start3A_157 : memref<!tpu.dma_semaphore, #tpu.memory_space<semaphore_mem>>) {add = true}
    }
    %scan3A_74 = arith.constant 79 : i32
    %dma_wait3A_75 = arith.constant 0 : i32
    %dma_wait3A_76 = arith.constant 0 : i32
    %dma_wait3A_77 = arith.constant 0 : i32
    %dma_wait3A_78 = arith.constant 0 : i32
    %dma_wait3A_79 = tpu.memref_slice %arg9[%dma_wait3A_75, %dma_wait3A_77, %dma_wait3A_78] : memref<2x128x128xf32, #tpu.memory_space<vmem>> -> memref<1x128x128xf32, #tpu.memory_space<vmem>>
    %dma_wait3A_80 = tpu.memref_squeeze %dma_wait3A_79 : memref<1x128x128xf32, #tpu.memory_space<vmem>> -> memref<128x128xf32, #tpu.memory_space<vmem>>
    %dma_wait3A_81 = arith.constant 0 : i32
    %dma_wait3A_82 = arith.constant 0 : i32
    %dma_wait3A_83 = tpu.memref_slice %arg5[%dma_wait3A_81, %dma_wait3A_82] : memref<10240x128xf32, #tpu.memory_space<hbm>> -> memref<128x128xf32, #tpu.memory_space<hbm>>
    %dma_wait3A_84 = tpu.memref_slice %arg12[%dma_wait3A_76] : memref<2x!tpu.dma_semaphore, #tpu.memory_space<semaphore_mem>> -> memref<1x!tpu.dma_semaphore, #tpu.memory_space<semaphore_mem>>
    %dma_wait3A_85 = tpu.memref_squeeze %dma_wait3A_84 : memref<1x!tpu.dma_semaphore, #tpu.memory_space<semaphore_mem>> -> memref<!tpu.dma_semaphore, #tpu.memory_space<semaphore_mem>>
    %dma_wait3A_86 = arith.constant 0 : i32
    %dma_wait3A_87 = arith.constant 0 : i32
    %dma_wait3A_88 = tpu.memref_slice %arg9[%dma_wait3A_75, %dma_wait3A_86, %dma_wait3A_87] : memref<2x128x128xf32, #tpu.memory_space<vmem>> -> memref<1x128x128xf32, #tpu.memory_space<vmem>>
    %dma_wait3A_89 = tpu.memref_squeeze %dma_wait3A_88 : memref<1x128x128xf32, #tpu.memory_space<vmem>> -> memref<128x128xf32, #tpu.memory_space<vmem>>
    %dma_wait3A_90 = arith.constant 0 : i32
    %dma_wait3A_91 = arith.constant 0 : i32
    %dma_wait3A_92 = tpu.memref_slice %arg5[%dma_wait3A_90, %dma_wait3A_91] : memref<10240x128xf32, #tpu.memory_space<hbm>> -> memref<128x128xf32, #tpu.memory_space<hbm>>
    tpu.wait_dma2 semaphore(%dma_wait3A_85 : memref<!tpu.dma_semaphore, #tpu.memory_space<semaphore_mem>>) src(%dma_wait3A_92 : memref<128x128xf32, #tpu.memory_space<hbm>>) dst(%dma_wait3A_89 : memref<128x128xf32, #tpu.memory_space<vmem>>)
    %dma_wait3A_93 = arith.constant 1 : i32
    %dma_wait3A_94 = arith.constant 1 : i32
    %dma_wait3A_95 = arith.constant 0 : i32
    %dma_wait3A_96 = arith.constant 0 : i32
    %dma_wait3A_97 = tpu.memref_slice %arg9[%dma_wait3A_93, %dma_wait3A_95, %dma_wait3A_96] : memref<2x128x128xf32, #tpu.memory_space<vmem>> -> memref<1x128x128xf32, #tpu.memory_space<vmem>>
    %dma_wait3A_98 = tpu.memref_squeeze %dma_wait3A_97 : memref<1x128x128xf32, #tpu.memory_space<vmem>> -> memref<128x128xf32, #tpu.memory_space<vmem>>
    %dma_wait3A_99 = arith.constant 0 : i32
    %dma_wait3A_100 = arith.constant 0 : i32
    %dma_wait3A_101 = tpu.memref_slice %arg5[%dma_wait3A_99, %dma_wait3A_100] : memref<10240x128xf32, #tpu.memory_space<hbm>> -> memref<128x128xf32, #tpu.memory_space<hbm>>
    %dma_wait3A_102 = tpu.memref_slice %arg12[%dma_wait3A_94] : memref<2x!tpu.dma_semaphore, #tpu.memory_space<semaphore_mem>> -> memref<1x!tpu.dma_semaphore, #tpu.memory_space<semaphore_mem>>
    %dma_wait3A_103 = tpu.memref_squeeze %dma_wait3A_102 : memref<1x!tpu.dma_semaphore, #tpu.memory_space<semaphore_mem>> -> memref<!tpu.dma_semaphore, #tpu.memory_space<semaphore_mem>>
    %dma_wait3A_104 = arith.constant 0 : i32
    %dma_wait3A_105 = arith.constant 0 : i32
    %dma_wait3A_106 = tpu.memref_slice %arg9[%dma_wait3A_93, %dma_wait3A_104, %dma_wait3A_105] : memref<2x128x128xf32, #tpu.memory_space<vmem>> -> memref<1x128x128xf32, #tpu.memory_space<vmem>>
    %dma_wait3A_107 = tpu.memref_squeeze %dma_wait3A_106 : memref<1x128x128xf32, #tpu.memory_space<vmem>> -> memref<128x128xf32, #tpu.memory_space<vmem>>
    %dma_wait3A_108 = arith.constant 0 : i32
    %dma_wait3A_109 = arith.constant 0 : i32
    %dma_wait3A_110 = tpu.memref_slice %arg5[%dma_wait3A_108, %dma_wait3A_109] : memref<10240x128xf32, #tpu.memory_space<hbm>> -> memref<128x128xf32, #tpu.memory_space<hbm>>
    tpu.wait_dma2 semaphore(%dma_wait3A_103 : memref<!tpu.dma_semaphore, #tpu.memory_space<semaphore_mem>>) src(%dma_wait3A_110 : memref<128x128xf32, #tpu.memory_space<hbm>>) dst(%dma_wait3A_107 : memref<128x128xf32, #tpu.memory_space<vmem>>)
    %barrier3A_111 = arith.constant 0 : index
    tpu.barrier barrier_id(%barrier3A_111)
    %mul3A_112 = arith.constant 640 : i32
    %mul3A_113 = arith.muli %arg1, %mul3A_112 : i32
    %mul3A_114 = arith.constant 640 : i32
    %mul3A_115 = arith.muli %arg1, %mul3A_114 : i32
    "tpu.region"() ({
      %run_scoped3A_116 = tpu.sem_alloc : memref<!tpu.dma_semaphore, #tpu.memory_space<semaphore_mem>>
      %dma_start3A_117 = arith.constant 0 : i32
      %dma_start3A_118 = tpu.memref_slice %arg6[%arg0, %mul3A_115, %dma_start3A_117] : memref<2x10240x128xf32, #tpu.memory_space<hbm>> -> memref<1x640x128xf32, #tpu.memory_space<hbm>>
      %dma_start3A_119 = tpu.memref_squeeze %dma_start3A_118 : memref<1x640x128xf32, #tpu.memory_space<hbm>> -> memref<640x128xf32, #tpu.memory_space<hbm>>
      %dma_start3A_120 = arith.constant 0 : i32
      %dma_start3A_121 = tpu.memref_slice %arg14[%mul3A_113, %dma_start3A_120] : memref<10240x128xf32, #tpu.memory_space<vmem_shared>> -> memref<640x128xf32, #tpu.memory_space<vmem_shared>>
      tpu.enqueue_dma source(%dma_start3A_121 : memref<640x128xf32, #tpu.memory_space<vmem_shared>>) target(%dma_start3A_119 : memref<640x128xf32, #tpu.memory_space<hbm>>) target_semaphore(%run_scoped3A_116 : memref<!tpu.dma_semaphore, #tpu.memory_space<semaphore_mem>>)
      %dma_wait3A_122 = arith.constant 0 : i32
      %dma_wait3A_123 = tpu.memref_slice %arg6[%arg0, %mul3A_115, %dma_wait3A_122] : memref<2x10240x128xf32, #tpu.memory_space<hbm>> -> memref<1x640x128xf32, #tpu.memory_space<hbm>>
      %dma_wait3A_124 = tpu.memref_squeeze %dma_wait3A_123 : memref<1x640x128xf32, #tpu.memory_space<hbm>> -> memref<640x128xf32, #tpu.memory_space<hbm>>
      %dma_wait3A_125 = arith.constant 0 : i32
      %dma_wait3A_126 = tpu.memref_slice %arg14[%mul3A_113, %dma_wait3A_125] : memref<10240x128xf32, #tpu.memory_space<vmem_shared>> -> memref<640x128xf32, #tpu.memory_space<vmem_shared>>
      tpu.wait_dma2 semaphore(%run_scoped3A_116 : memref<!tpu.dma_semaphore, #tpu.memory_space<semaphore_mem>>) src(%dma_wait3A_126 : memref<640x128xf32, #tpu.memory_space<vmem_shared>>) dst(%dma_wait3A_124 : memref<640x128xf32, #tpu.memory_space<hbm>>)
      tpu.yield
    }) : () -> ()
    return
  }
}

module attributes {stable_mosaic.version = 14 : i64} {
  func.func @_k1_body(%arg0: i32, %arg1: memref<2048x128xf32, #tpu.memory_space<vmem>>, %arg2: memref<128x128xf32, #tpu.memory_space<vmem>>, %arg3: memref<32x8x2048xi32, #tpu.memory_space<vmem>>, %arg4: memref<2048x128xf32, #tpu.memory_space<vmem>>, %arg5: memref<2048x8xf32, #tpu.memory_space<vmem>>) attributes {dimension_semantics = [#tpu.dimension_semantics<arbitrary>], iteration_bounds = array<i64: 5>, scalar_prefetch = 0 : i64, scratch_operands = 0 : i64, tpu.core_type = #tpu.core_type<tc>, window_params = [{transform_indices = @transform_0, window_bounds = array<i64: 2048, 128>}, {pipeline_mode = #tpu.pipeline_mode<synchronous>, transform_indices = @transform_1, window_bounds = array<i64: 128, 128>}, {transform_indices = @transform_2, window_bounds = array<i64: 32, 8, 2048>}, {transform_indices = @transform_3, window_bounds = array<i64: 2048, 128>}, {transform_indices = @transform_4, window_bounds = array<i64: 2048, 8>}]} {
    %get3A = arith.constant 0 : index
    %get3A_0 = arith.constant 0 : index
    %get3A_1 = arith.constant 0 : index
    %get3A_2 = vector.load %arg3[%get3A, %get3A_0, %get3A_1] : memref<32x8x2048xi32, #tpu.memory_space<vmem>>, vector<32x1x2048xi32>
    %get3A_3 = vector.shape_cast %get3A_2 : vector<32x1x2048xi32> to vector<32x2048xi32>
    %convert_element_type3A = arith.sitofp %get3A_3 : vector<32x2048xi32> to vector<32x2048xf32>
    %transpose3A = tpu.transpose %convert_element_type3A, [1, 0] : vector<32x2048xf32> -> vector<2048x32xf32>
    %broadcast_in_dim3A = arith.constant 1.000000e+00 : f32
    %broadcast_in_dim3A_4 = vector.broadcast %broadcast_in_dim3A : f32 to vector<32x1xf32>
    %dot_general3A = arith.constant dense<0.000000e+00> : vector<2048x1xf32>
    %dot_general3A_5 = tpu.matmul %transpose3A, %broadcast_in_dim3A_4, %dot_general3A {dimension_numbers = #tpu.dot_dimension_numbers<[1], [0], [0], [1], [0, 0, 1, 1], [], []>, transpose_lhs_hint = false} : vector<2048x32xf32>, vector<32x1xf32>, vector<2048x1xf32> -> vector<2048x1xf32>
    %add3A = arith.constant 1.000000e+00 : f32
    %add3A_6 = vector.broadcast %add3A : f32 to vector<2048x1xf32>
    %add3A_7 = arith.addf %dot_general3A_5, %add3A_6 : vector<2048x1xf32>
    %rsqrt3A = math.rsqrt %add3A_7 : vector<2048x1xf32>
    %broadcast_in_dim3A_8 = vector.shape_cast %rsqrt3A : vector<2048x1xf32> to vector<2048x1xf32>
    %broadcast_in_dim3A_9 = vector.broadcast %broadcast_in_dim3A_8 : vector<2048x1xf32> to vector<2048x8xf32>
    %swap3A = arith.constant 0 : index
    %swap3A_10 = arith.constant 0 : index
    %swap3A_11 = vector.load %arg5[%swap3A, %swap3A_10] : memref<2048x8xf32, #tpu.memory_space<vmem>>, vector<2048x8xf32>
    tpu.vector_store %arg5[%swap3A, %swap3A_10], %broadcast_in_dim3A_9 {strides = array<i32>} : memref<2048x8xf32, #tpu.memory_space<vmem>>, vector<2048x8xf32>,
    %get3A_12 = arith.constant 0 : index
    %get3A_13 = arith.constant 0 : index
    %get3A_14 = vector.load %arg1[%get3A_12, %get3A_13] : memref<2048x128xf32, #tpu.memory_space<vmem>>, vector<2048x128xf32>
    %get3A_15 = arith.constant 0 : index
    %get3A_16 = arith.constant 0 : index
    %get3A_17 = vector.load %arg2[%get3A_15, %get3A_16] : memref<128x128xf32, #tpu.memory_space<vmem>>, vector<128x128xf32>
    %dot_general3A_18 = arith.constant dense<0.000000e+00> : vector<2048x128xf32>
    %dot_general3A_19 = tpu.matmul %get3A_14, %get3A_17, %dot_general3A_18 {dimension_numbers = #tpu.dot_dimension_numbers<[1], [0], [0], [1], [0, 0, 1, 1], [], []>, transpose_lhs_hint = false} : vector<2048x128xf32>, vector<128x128xf32>, vector<2048x128xf32> -> vector<2048x128xf32>
    %mul3A = vector.broadcast %rsqrt3A : vector<2048x1xf32> to vector<2048x128xf32>
    %mul3A_20 = arith.mulf %mul3A, %dot_general3A_19 : vector<2048x128xf32>
    %swap3A_21 = arith.constant 0 : index
    %swap3A_22 = arith.constant 0 : index
    %swap3A_23 = vector.load %arg4[%swap3A_21, %swap3A_22] : memref<2048x128xf32, #tpu.memory_space<vmem>>, vector<2048x128xf32>
    tpu.vector_store %arg4[%swap3A_21, %swap3A_22], %mul3A_20 {strides = array<i32>} : memref<2048x128xf32, #tpu.memory_space<vmem>>, vector<2048x128xf32>,
    return
  }
  func.func @transform_0(%arg0: i32) -> (i32, i32) {
    %c0_i32 = arith.constant 0 : i32
    %c0_i32_0 = arith.constant 0 : i32
    return %arg0, %c0_i32 : i32, i32
  }
  func.func @transform_1(%arg0: i32) -> (i32, i32) {
    %c0_i32 = arith.constant 0 : i32
    %c0_i32_0 = arith.constant 0 : i32
    %c0_i32_1 = arith.constant 0 : i32
    return %c0_i32, %c0_i32_0 : i32, i32
  }
  func.func @transform_2(%arg0: i32) -> (i32, i32, i32) {
    %c0_i32 = arith.constant 0 : i32
    %c0_i32_0 = arith.constant 0 : i32
    %c0_i32_1 = arith.constant 0 : i32
    return %c0_i32, %c0_i32_0, %arg0 : i32, i32, i32
  }
  func.func @transform_3(%arg0: i32) -> (i32, i32) {
    %c0_i32 = arith.constant 0 : i32
    %c0_i32_0 = arith.constant 0 : i32
    return %arg0, %c0_i32 : i32, i32
  }
  func.func @transform_4(%arg0: i32) -> (i32, i32) {
    %c0_i32 = arith.constant 0 : i32
    %c0_i32_0 = arith.constant 0 : i32
    return %arg0, %c0_i32 : i32, i32
  }
}

module attributes {stable_mosaic.version = 14 : i64} {
  func.func @_k2_body(%arg0: i32, %arg1: memref<2x2048x128xf32, #tpu.memory_space<vmem>>, %arg2: memref<2048x128xf32, #tpu.memory_space<vmem>>, %arg3: memref<2048x8xf32, #tpu.memory_space<vmem>>, %arg4: memref<128x128xf32, #tpu.memory_space<vmem>>, %arg5: memref<1x128xf32, #tpu.memory_space<vmem>>, %arg6: memref<2048x128xf32, #tpu.memory_space<vmem>>) attributes {dimension_semantics = [#tpu.dimension_semantics<arbitrary>], iteration_bounds = array<i64: 5>, scalar_prefetch = 0 : i64, scratch_operands = 0 : i64, tpu.core_type = #tpu.core_type<tc>, window_params = [{transform_indices = @transform_0, window_bounds = array<i64: 2, 2048, 128>}, {transform_indices = @transform_1, window_bounds = array<i64: 2048, 128>}, {transform_indices = @transform_2, window_bounds = array<i64: 2048, 8>}, {pipeline_mode = #tpu.pipeline_mode<synchronous>, transform_indices = @transform_3, window_bounds = array<i64: 128, 128>}, {pipeline_mode = #tpu.pipeline_mode<synchronous>, transform_indices = @transform_4, window_bounds = array<i64: 1, 128>}, {transform_indices = @transform_5, window_bounds = array<i64: 2048, 128>}]} {
    %get3A = arith.constant 0 : index
    %get3A_0 = arith.constant 0 : index
    %get3A_1 = vector.load %arg3[%get3A, %get3A_0] : memref<2048x8xf32, #tpu.memory_space<vmem>>, vector<2048x1xf32>
    %get3A_2 = arith.constant 0 : index
    %get3A_3 = arith.constant 0 : index
    %get3A_4 = arith.constant 0 : index
    %get3A_5 = vector.load %arg1[%get3A_2, %get3A_3, %get3A_4] : memref<2x2048x128xf32, #tpu.memory_space<vmem>>, vector<1x2048x128xf32>
    %get3A_6 = vector.shape_cast %get3A_5 : vector<1x2048x128xf32> to vector<2048x128xf32>
    %get3A_7 = arith.constant 1 : index
    %get3A_8 = arith.constant 0 : index
    %get3A_9 = arith.constant 0 : index
    %get3A_10 = vector.load %arg1[%get3A_7, %get3A_8, %get3A_9] : memref<2x2048x128xf32, #tpu.memory_space<vmem>>, vector<1x2048x128xf32>
    %get3A_11 = vector.shape_cast %get3A_10 : vector<1x2048x128xf32> to vector<2048x128xf32>
    %add3A = arith.addf %get3A_6, %get3A_11 : vector<2048x128xf32>
    %get3A_12 = arith.constant 0 : index
    %get3A_13 = arith.constant 0 : index
    %get3A_14 = vector.load %arg2[%get3A_12, %get3A_13] : memref<2048x128xf32, #tpu.memory_space<vmem>>, vector<2048x128xf32>
    %add3A_15 = arith.addf %add3A, %get3A_14 : vector<2048x128xf32>
    %mul3A = vector.broadcast %get3A_1 : vector<2048x1xf32> to vector<2048x128xf32>
    %mul3A_16 = arith.mulf %mul3A, %add3A_15 : vector<2048x128xf32>
    %get3A_17 = arith.constant 0 : index
    %get3A_18 = arith.constant 0 : index
    %get3A_19 = vector.load %arg5[%get3A_17, %get3A_18] : memref<1x128xf32, #tpu.memory_space<vmem>>, vector<1x128xf32>
    %add3A_20 = vector.broadcast %get3A_19 : vector<1x128xf32> to vector<2048x128xf32>
    %add3A_21 = arith.addf %mul3A_16, %add3A_20 : vector<2048x128xf32>
    %max3A = arith.constant 0.000000e+00 : f32
    %max3A_22 = vector.broadcast %max3A : f32 to vector<2048x128xf32>
    %max3A_23 = arith.maximumf %add3A_21, %max3A_22 : vector<2048x128xf32>
    %get3A_24 = arith.constant 0 : index
    %get3A_25 = arith.constant 0 : index
    %get3A_26 = vector.load %arg4[%get3A_24, %get3A_25] : memref<128x128xf32, #tpu.memory_space<vmem>>, vector<128x128xf32>
    %dot_general3A = arith.constant dense<0.000000e+00> : vector<2048x128xf32>
    %dot_general3A_27 = tpu.matmul %max3A_23, %get3A_26, %dot_general3A {dimension_numbers = #tpu.dot_dimension_numbers<[1], [0], [0], [1], [0, 0, 1, 1], [], []>, transpose_lhs_hint = false} : vector<2048x128xf32>, vector<128x128xf32>, vector<2048x128xf32> -> vector<2048x128xf32>
    %mul3A_28 = vector.broadcast %get3A_1 : vector<2048x1xf32> to vector<2048x128xf32>
    %mul3A_29 = arith.mulf %mul3A_28, %dot_general3A_27 : vector<2048x128xf32>
    %swap3A = arith.constant 0 : index
    %swap3A_30 = arith.constant 0 : index
    %swap3A_31 = vector.load %arg6[%swap3A, %swap3A_30] : memref<2048x128xf32, #tpu.memory_space<vmem>>, vector<2048x128xf32>
    tpu.vector_store %arg6[%swap3A, %swap3A_30], %mul3A_29 {strides = array<i32>} : memref<2048x128xf32, #tpu.memory_space<vmem>>, vector<2048x128xf32>,
    return
  }
  func.func @transform_0(%arg0: i32) -> (i32, i32, i32) {
    %c0_i32 = arith.constant 0 : i32
    %c0_i32_0 = arith.constant 0 : i32
    %c0_i32_1 = arith.constant 0 : i32
    return %c0_i32, %arg0, %c0_i32_0 : i32, i32, i32
  }
  func.func @transform_1(%arg0: i32) -> (i32, i32) {
    %c0_i32 = arith.constant 0 : i32
    %c0_i32_0 = arith.constant 0 : i32
    return %arg0, %c0_i32 : i32, i32
  }
  func.func @transform_2(%arg0: i32) -> (i32, i32) {
    %c0_i32 = arith.constant 0 : i32
    %c0_i32_0 = arith.constant 0 : i32
    return %arg0, %c0_i32 : i32, i32
  }
  func.func @transform_3(%arg0: i32) -> (i32, i32) {
    %c0_i32 = arith.constant 0 : i32
    %c0_i32_0 = arith.constant 0 : i32
    %c0_i32_1 = arith.constant 0 : i32
    return %c0_i32, %c0_i32_0 : i32, i32
  }
  func.func @transform_4(%arg0: i32) -> (i32, i32) {
    %c0_i32 = arith.constant 0 : i32
    %c0_i32_0 = arith.constant 0 : i32
    %c0_i32_1 = arith.constant 0 : i32
    return %c0_i32, %c0_i32_0 : i32, i32
  }
  func.func @transform_5(%arg0: i32) -> (i32, i32) {
    %c0_i32 = arith.constant 0 : i32
    %c0_i32_0 = arith.constant 0 : i32
    return %arg0, %c0_i32 : i32, i32
  }
}

module attributes {stable_mosaic.version = 14 : i64} {
  func.func @_k3_body(%arg0: i32, %arg1: memref<2x2048x128xf32, #tpu.memory_space<vmem>>, %arg2: memref<2048x128xf32, #tpu.memory_space<vmem>>, %arg3: memref<2048x8xf32, #tpu.memory_space<vmem>>, %arg4: memref<1x128xf32, #tpu.memory_space<vmem>>, %arg5: memref<2048x128xf32, #tpu.memory_space<vmem>>) attributes {dimension_semantics = [#tpu.dimension_semantics<arbitrary>], iteration_bounds = array<i64: 5>, scalar_prefetch = 0 : i64, scratch_operands = 0 : i64, tpu.core_type = #tpu.core_type<tc>, window_params = [{transform_indices = @transform_0, window_bounds = array<i64: 2, 2048, 128>}, {transform_indices = @transform_1, window_bounds = array<i64: 2048, 128>}, {transform_indices = @transform_2, window_bounds = array<i64: 2048, 8>}, {pipeline_mode = #tpu.pipeline_mode<synchronous>, transform_indices = @transform_3, window_bounds = array<i64: 1, 128>}, {transform_indices = @transform_4, window_bounds = array<i64: 2048, 128>}]} {
    %get3A = arith.constant 0 : index
    %get3A_0 = arith.constant 0 : index
    %get3A_1 = vector.load %arg3[%get3A, %get3A_0] : memref<2048x8xf32, #tpu.memory_space<vmem>>, vector<2048x1xf32>
    %get3A_2 = arith.constant 0 : index
    %get3A_3 = arith.constant 0 : index
    %get3A_4 = arith.constant 0 : index
    %get3A_5 = vector.load %arg1[%get3A_2, %get3A_3, %get3A_4] : memref<2x2048x128xf32, #tpu.memory_space<vmem>>, vector<1x2048x128xf32>
    %get3A_6 = vector.shape_cast %get3A_5 : vector<1x2048x128xf32> to vector<2048x128xf32>
    %get3A_7 = arith.constant 1 : index
    %get3A_8 = arith.constant 0 : index
    %get3A_9 = arith.constant 0 : index
    %get3A_10 = vector.load %arg1[%get3A_7, %get3A_8, %get3A_9] : memref<2x2048x128xf32, #tpu.memory_space<vmem>>, vector<1x2048x128xf32>
    %get3A_11 = vector.shape_cast %get3A_10 : vector<1x2048x128xf32> to vector<2048x128xf32>
    %add3A = arith.addf %get3A_6, %get3A_11 : vector<2048x128xf32>
    %get3A_12 = arith.constant 0 : index
    %get3A_13 = arith.constant 0 : index
    %get3A_14 = vector.load %arg2[%get3A_12, %get3A_13] : memref<2048x128xf32, #tpu.memory_space<vmem>>, vector<2048x128xf32>
    %add3A_15 = arith.addf %add3A, %get3A_14 : vector<2048x128xf32>
    %mul3A = vector.broadcast %get3A_1 : vector<2048x1xf32> to vector<2048x128xf32>
    %mul3A_16 = arith.mulf %mul3A, %add3A_15 : vector<2048x128xf32>
    %get3A_17 = arith.constant 0 : index
    %get3A_18 = arith.constant 0 : index
    %get3A_19 = vector.load %arg4[%get3A_17, %get3A_18] : memref<1x128xf32, #tpu.memory_space<vmem>>, vector<1x128xf32>
    %add3A_20 = vector.broadcast %get3A_19 : vector<1x128xf32> to vector<2048x128xf32>
    %add3A_21 = arith.addf %mul3A_16, %add3A_20 : vector<2048x128xf32>
    %swap3A = arith.constant 0 : index
    %swap3A_22 = arith.constant 0 : index
    %swap3A_23 = vector.load %arg5[%swap3A, %swap3A_22] : memref<2048x128xf32, #tpu.memory_space<vmem>>, vector<2048x128xf32>
    tpu.vector_store %arg5[%swap3A, %swap3A_22], %add3A_21 {strides = array<i32>} : memref<2048x128xf32, #tpu.memory_space<vmem>>, vector<2048x128xf32>,
    return
  }
  func.func @transform_0(%arg0: i32) -> (i32, i32, i32) {
    %c0_i32 = arith.constant 0 : i32
    %c0_i32_0 = arith.constant 0 : i32
    %c0_i32_1 = arith.constant 0 : i32
    return %c0_i32, %arg0, %c0_i32_0 : i32, i32, i32
  }
  func.func @transform_1(%arg0: i32) -> (i32, i32) {
    %c0_i32 = arith.constant 0 : i32
    %c0_i32_0 = arith.constant 0 : i32
    return %arg0, %c0_i32 : i32, i32
  }
  func.func @transform_2(%arg0: i32) -> (i32, i32) {
    %c0_i32 = arith.constant 0 : i32
    %c0_i32_0 = arith.constant 0 : i32
    return %arg0, %c0_i32 : i32, i32
  }
  func.func @transform_3(%arg0: i32) -> (i32, i32) {
    %c0_i32 = arith.constant 0 : i32
    %c0_i32_0 = arith.constant 0 : i32
    %c0_i32_1 = arith.constant 0 : i32
    return %c0_i32, %c0_i32_0 : i32, i32
  }
  func.func @transform_4(%arg0: i32) -> (i32, i32) {
    %c0_i32 = arith.constant 0 : i32
    %c0_i32_0 = arith.constant 0 : i32
    return %arg0, %c0_i32 : i32, i32
  }
}

</mosaic_0001>

<sc_bundles>
// kernel: kernel.11.cloned.1.call-start
scs
__scs_entry_jumppad:
0x0: {  	(pc) =	sbr.rel $0x88, $3  }
0x1: {  	(tag) =	ssettag $0x0;
	lr =	simm.s32 $0x1  }
0x2: {  	[smem:$0x3F9B] =	sst lr;
	_ =	strace $0xD0000000  }
0x3: {  	_ = 	snop  }
0x4: {  	_ = 	snop  }
0x5: {  	_ = 	snop  }
0x6: {  	_ = 	snop  }
0x7: {  	_ = 	snop  }
__scs_overlays_trampoline_lowered:
0x8: {  	[smem:$0x3FAA] =	sst s0  }
0x9: {  	[smem:$0x3FAB] =	sst s1  }
0xa: {  	[smem:$0x3FAC] =	sst s2  }
0xb: {  	[smem:$0x3FAD] =	sst s3  }
0xc: {  	[smem:$0x3FAE] =	sst s4  }
0xd: {  	[smem:$0x3FAF] =	sst s5  }
0xe: {  	[smem:$0x3FB0] =	sst s6  }
0xf: {  	[smem:$0x3FB1] =	sst s7  }
0x10: {  	[smem:$0x3FB2] =	sst s8  }
0x11: {  	[smem:$0x3FB3] =	sst s9;
	s0 =	simm.s32 @!p0 $0x0  }
0x12: {  	s1 =	sld [smem:$0x3F99];
	s0 =	simm.s32 @p0 $0x1  }
0x13: {  	[smem:$0x3FB4] =	sst s0;
	s0 =	simm.s32 @!p1 $0x0  }
0x14: {  	s2 =	sld [smem:$0x3F98];
	s0 =	simm.s32 @p1 $0x1  }
0x15: {  	[smem:$0x3FB5] =	sst s0;
	s0 =	simm.s32 @!p2 $0x0  }
0x16: {  	s3 =	sld [smem:$0x3FDB];
	s0 =	simm.s32 @p2 $0x1  }
0x17: {  	s4 =	simm.s32 $0x1BF5;
	[smem:$0x3FB7] =	sst s0  }
0x18: {  	s0 =	sld [smem:$0x3F9A];
	_ =	swait.ge [sflag:s4], $0x0  }
0x19: {  	s7 =	sld [smem:$0x3F9B]  }
0x1a: {  	s8 =	sadd.s32 $0xFFFFE003, lr  }
0x1b: {  	s9 =	sadd.s32 $0xFFFFFEF7, lr;
	s5 =	simm.s32 $0xFFFFFFFF;
	p2 =	slt.u32 s8, $0xFFFFF086  }
0x1c: {  	p1 =	slt.u32 s9, $0xF7A;
	s5 =	simm.s32 @!p2 $0x0  }
0x1d: {  	s5 =	simm.s32 @p1 $0x1;
	p0 =	seq.s32 s7, s2  }
0x1e: {  	s7 =	smul.u32 @!p0 $0xF7A, s2;
	p2 =	seq.s32 @!p0 s5, $0x0  }
0x1f: {  	s9 =	smul.u32 $0xF7A, s1;
	s8 =	simm.s32 @!p0 $0x1BF5;
	p2 =	por !p2, p0  }
0x20: {  	[sflag:s8] =	ssyncset.s32 @!p0 $0xFFFFF086;
	s6 =	sadd.s32 @!p0 s3, s7;
	s7 =	simm.s32 @!p0 $0x108  }
0x21: {  	s3 =	sadd.s32 s3, s9;
	s6 =	sadd.s32 @!p0 $0x88, s6;
	s7 =	simm.s32 @p2 $0x1082  }
0x22: {  	[simem:s7], [sflag:s8] =	dma.local @!p0 [hbm:s6], $0xF7A  }
0x23: {  	s9 =	sor.u32 $0xD0000000, s2;
	s6 =	simm.s32 $0x108;
	_ =	swait.ge @!p0 [sflag:s8], $0x0  }
0x24: {  	s3 =	sadd.s32 $0x88, s3;
	s6 =	simm.s32 @!p1 $0x1082;
	[sflag:s4] =	ssyncset.s32 $0xFFFFF086  }
0x25: {  	[simem:s6], [sflag:s4] =	dma.local [hbm:s3], $0xF7A  }
0x26: {  	[smem:$0x3F9B] =	sst s1;
	(tag) =	ssettag s2;
	_ =	strace s9  }
0x27: {  	s1 =	sld [smem:$0x3FAB]  }
0x28: {  	s2 =	sld [smem:$0x3FAC]  }
0x29: {  	s4 =	sld [smem:$0x3FAE]  }
0x2a: {  	p0 =	seq.s32 s5, $0x0;
	s5 =	sld [smem:$0x3FAF]  }
0x2b: {  	s6 =	sld [smem:$0x3FB0]  }
0x2c: {  	s7 =	sld [smem:$0x3FB1]  }
0x2d: {  	s3 =	simm.s32 $0x108;
	s8 =	sld [smem:$0x3FB2]  }
0x2e: {  	s3 =	simm.s32 @!p0 $0x1082;
	s9 =	sld [smem:$0x3FB3]  }
0x2f: {  	lr =	sadd.s32 s0, s3;
	s0 =	sld [smem:$0x3FAA]  }
0x30: {  	s3 =	sld [smem:$0x3FAD]  }
0x31: {  	[smem:$0x3FB6] =	sst s10  }
0x32: {  	s10 =	sld [smem:$0x3FB4];
	_ =	sdelay $0x3  }
0x33: {  	p0 =	seq.s32 s10, $0x1;
	s10 =	sld [smem:$0x3FB6];
	_ =	sdelay $0x3  }
0x34: {  	[smem:$0x3FB6] =	sst s10  }
0x35: {  	s10 =	sld [smem:$0x3FB5];
	_ =	sdelay $0x3  }
0x36: {  	p1 =	seq.s32 s10, $0x1;
	s10 =	sld [smem:$0x3FB6];
	_ =	sdelay $0x3  }
0x37: {  	[smem:$0x3FB6] =	sst s10  }
0x38: {  	s10 =	sld [smem:$0x3FB7]  }
0x39: {  	_ = 	snop;
	(pc) =	sbr.ind lr, $3  }
0x3a: {  	_ = 	snop  }
0x3b: {  	_ = 	snop  }
0x3c: {  	p2 =	seq.s32 s10, $0x1;
	s10 =	sld [smem:$0x3FB6]  }
0x3d: {  	_ =	shalt  }
0x3e: {  	_ =	shalt  }
0x3f: {  	_ =	shalt  }
0x40: {  	_ =	shalt  }
0x41: {  	_ =	shalt  }
0x42: {  	_ =	shalt  }
0x43: {  	_ =	shalt  }
0x44: {  	_ =	shalt  }
0x45: {  	_ =	shalt  }
0x46: {  	_ =	shalt  }
0x47: {  	_ =	shalt  }
0x48: {  	_ =	shalt  }
0x49: {  	_ =	shalt  }
0x4a: {  	_ =	shalt  }
0x4b: {  	_ =	shalt  }
0x4c: {  	_ =	shalt  }
0x4d: {  	_ =	shalt  }
0x4e: {  	_ =	shalt  }
0x4f: {  	_ =	shalt  }
0x50: {  	_ =	shalt  }
0x51: {  	_ =	shalt  }
0x52: {  	_ =	shalt  }
0x53: {  	_ =	shalt  }
0x54: {  	_ =	shalt  }
0x55: {  	_ =	shalt  }
0x56: {  	_ =	shalt  }
0x57: {  	_ =	shalt  }
0x58: {  	_ =	shalt  }
0x59: {  	_ =	shalt  }
0x5a: {  	_ =	shalt  }
0x5b: {  	_ =	shalt  }
0x5c: {  	_ =	shalt  }
0x5d: {  	_ =	shalt  }
0x5e: {  	_ =	shalt  }
0x5f: {  	_ =	shalt  }
0x60: {  	_ =	shalt  }
0x61: {  	_ =	shalt  }
0x62: {  	_ =	shalt  }
0x63: {  	_ =	shalt  }
0x64: {  	_ =	shalt  }
0x65: {  	_ =	shalt  }
0x66: {  	_ =	shalt  }
0x67: {  	_ =	shalt  }
0x68: {  	_ =	shalt  }
0x69: {  	_ =	shalt  }
0x6a: {  	_ =	shalt  }
0x6b: {  	_ =	shalt  }
0x6c: {  	_ =	shalt  }
0x6d: {  	_ =	shalt  }
0x6e: {  	_ =	shalt  }
0x6f: {  	_ =	shalt  }
0x70: {  	_ =	shalt  }
0x71: {  	_ =	shalt  }
0x72: {  	_ =	shalt  }
0x73: {  	_ =	shalt  }
0x74: {  	_ =	shalt  }
0x75: {  	_ =	shalt  }
0x76: {  	_ =	shalt  }
0x77: {  	_ =	shalt  }
0x78: {  	_ =	shalt  }
0x79: {  	_ =	shalt  }
0x7a: {  	_ =	shalt  }
0x7b: {  	_ =	shalt  }
0x7c: {  	_ =	shalt  }
0x7d: {  	_ =	shalt  }
0x7e: {  	_ =	shalt  }
0x7f: {  	_ =	shalt  }
0x80: {  	_ =	shalt  }
0x81: {  	_ =	shalt  }
0x82: {  	_ =	shalt  }
0x83: {  	_ =	shalt  }
0x84: {  	_ =	shalt  }
0x85: {  	_ =	shalt  }
0x86: {  	_ =	shalt  }
0x87: {  	_ =	shalt  }
.Lfunc_end0:
.L_simem_size_0:
called_computation.1_lowered:
.L_overlay_start_0:
0x88: {  	s2 =	sld [smem:$0x3FD9]  }
0x89: {  	s3 =	sld [smem:$0x3FFE];
	_ =	sdelay $0x1  }
0x8a: {  	s1 =	srdreg.scid  }
0x8b: {  	s0 =	sand.u32 $0x1, s1  }
0x8c: {  	s17 =	sshll.u32 s0, $0xA;
	s2 =	sadd.s32 s3, s2  }
0x8d: {  	s2 =	sadd.s32 s2, s17  }
0x8e: {  	[smem:$0x3FC2] =	sst s2  }
0x8f: {  	_ = 	snop  }
0x90: {  	s2 =	sld [smem:$0x3FD0];
	(tm) =	ssettm $0x1  }
0x91: {  	s18 =	sld [smem:$0x3FFB];
	_ =	sdelay $0x3  }
0x92: {  	_ =	strace s18  }
0x93: {  	s3 =	sld [smem:$0x3FFC];
	_ =	sdelay $0x3  }
0x94: {  	_ =	strace s3  }
0x95: {  	s3 =	sld [smem:$0x3FFD];
	_ =	sdelay $0x3  }
0x96: {  	_ =	strace s3  }
0x97: {  	_ =	strace $0x8FFFFFFF  }
0x98: {  	s19 =	sld [smem:$0x3FDB];
	_ =	sdelay $0x1  }
0x99: {  	s4 =	simm.s32 $_scs_section_size  }
0x9a: {  	s5 =	simm.s32 $_size__tile_overlayer_lowered;
	s6 =	simm.s32 $_tile_overlayer_lowered  }
0x9b: {  	s22 =	simm.s32 $0x1BFF;
	s21 =	sshll.u32 s6, $0x1;
	s3 =	sadd.s32 s4, s19  }
0x9c: {  	s7 =	simm.s32 $0x0;
	s20 =	sshll.u32 s5, $0x1;
	s5 =	sadd.s32 s21, s3  }
0x9d: {  	[timem:s7], [sflag:s22] =	dma.local [hbm:s5], s20  }
0x9e: {  	_ =	swait.ge [sflag:s22], s20  }
0x9f: {  	s4 =	ssub.s32 $0x0, s20;
	[sflag:s22] =	ssyncset.done $0x0  }
0xa0: {  	[sflag:s22] =	ssyncadd.s32 s4;
	_ =	sdelay $0x1  }
0xa1: {  	s23 =	simm.s32 $0x1B8B  }
0xa2: {  	_ =	swait.ge [sflag:s23], $0x1  }
0xa3: {  	[sflag:s23] =	ssyncset.done $0x0  }
0xa4: {  	s25 =	simm.s32 $0x1B8E;
	s24 =	sld [smem:$0x3FFE];
	[sflag:s23] =	ssyncadd.s32 $0xFFFFFFFF  }
0xa5: {  	s26 =	simm.s32 $execute0_lowered;
	[smem:$0x3FD2] =	sst s25  }
0xa6: {  	s5 =	sshll.u32 s26, $0x1;
	_ =	strace $0x80000049;
	[dreg:$0x1] =	wrdreg $0xFFFFFFFF  }
0xa7: {  	s28 =	simm.s32 $_size_execute0_lowered;
	s3 =	sadd.s32 s3, s5;
	[dreg:$0x0] =	wrdreg $0x0  }
0xa8: {  	s5 =	sshll.u32 s28, $0x1;
	[dreg:$0x2] =	wrdreg s3  }
0xa9: {  	[dreg:$0x3] =	wrdreg s5  }
0xaa: {  	[dreg:$0x4] =	wrdreg $0xC0  }
0xab: {  	_ =	task [dreg:s7], $0x5FFFF  }
0xac: {  	[dreg:$0x1] =	wrdreg $0xFFFFFFFF  }
0xad: {  	[dreg:$0x0] =	wrdreg $0x60  }
0xae: {  	[dreg:$0x2] =	wrdreg s24  }
0xaf: {  	[dreg:$0x3] =	wrdreg s2  }
0xb0: {  	[dreg:$0x4] =	wrdreg $0xA9000  }
0xb1: {  	[dreg:$0x5] =	wrdreg $0x9  }
0xb2: {  	_ =	task.clear_ibuf [dreg:s7], $0x6FFFF;
	_ =	strace $0x90000049  }
0xb3: {  	s29 =	simm.s32 $0x9;
	_ =	strace $0x8000004B  }
0xb4: {  	_ =	swait.ge [sflag:s29], $0x1  }
0xb5: {  	[sflag:s29] =	ssyncadd.s32 $0xFFFFFFFF  }
0xb6: {  	_ =	strace $0x9000004B  }
0xb7: {  	_ =	sfence  }
0xb8: {  	s30 =	sld [smem:$0x0];
	_ =	sdelay $0x2  }
0xb9: {  	s31 =	sshll.u32 s1, $0xD;
	s1 =	sshrl.u32 s1, $0x2  }
0xba: {  	s3 =	sand.u32 $0x4000, s31;
	s1 =	sadd.s32 s1, s30  }
0xbb: {  	s0 =	sor.u32 s3, s0;
	s1 =	sshll.u32 s1, $0x11  }
0xbc: {  	s0 =	sor.u32 s1, s0  }
0xbd: {  	s0 =	sadd.s32 $0x8F2B, s0  }
0xbe: {  	[sflag:s0] =	ssyncadd.remote.s32 $0x1  }
0xbf: {  	_ =	sfence.sel $0xFFFF  }
0xc0: {  	[dreg:$0x0] =	wrdreg $0xFFFFFFFF;
	(pc) =	sbr.abs _section_cstart, $3  }
0xc1: {  	[dreg:$0x1] =	wrdreg $0xFFFFFFFF  }
0xc2: {  	_ =	task.clear_ibuf [dreg:s7], $0x2FFFF;
	_ =	strace $0x9FFFFFFF  }
0xc3: {  	(tm) =	ssettm $0x7FFFFFFF  }
tec
execute0_lowered:
.L_overlay_start_1:
0x0: {  	(tag) =	ssettag $0x1  }
0x1: {  	s0 =	rddreg [dreg:$0x0]  }
0x2: {  	s1 =	rddreg [dreg:$0x1]  }
0x3: {  	s2 =	rddreg [dreg:$0x2];
	s3 =	simm.s32 $0x0;
	s13 =	stileid.u32  }
0x4: {  	s4 =	srdreg.scid;
	s17 =	simm.s32 $0x9;
	s18 =	simm.s32 $0x80  }
0x5: {  	s19 =	simm.s32 $0x2900;
	s20 =	simm.s32 $0x7;
	s28 =	simm.s32 $0x6  }
0x6: {  	s29 =	simm.s32 $0x0;
	[smem:$0x7FF] =	sst s3;
	s5 =	smul.u32 $0x14000, s13  }
0x7: {  	s6 =	sand.u32 $0x1, s4;
	s7 =	sadd.s32 $0xC000, s0;
	s12 =	smul.u32 $0x50000, s13  }
0x8: {  	s4 =	sadd.s32 $0x15E00, s0;
	s25 =	smul.u32 $0x2780, s13;
	s30 =	sshll.u32 s13, $0x6  }
0x9: {  	_ =	strace $0x8000004A;
	s8 =	smul.u32 $0x140000, s6;
	s9 =	sshll.u32 s6, $0x4  }
0xa: {  	s11 =	ssub.s32 $0x2, s6;
	s6 =	smul.u32 $0x27800, s6;
	[dreg:$0x6] =	wrdreg s30  }
0xb: {  	s10 =	sshrl.u32 s5, $0x3;
	s9 =	sor.u32 s13, s9;
	s22 =	sshrl.u32 s11, $0x1  }
0xc: {  	s23 =	sshrl.u32 s12, $0x2;
	s10 =	sadd.s32 s10, s0;
	s21 =	smul.u32 $0x2780, s9  }
0xd: {  	s5 =	sadd.s32 s5, s8;
	s9 =	smul.u32 $0x500, s9;
	s24 =	sadd.s32 s23, s2  }
0xe: {  	s6 =	sadd.s32 s25, s6;
	s5 =	sshrl.u32 s5, $0x3;
	s26 =	sadd.s32 $0x3DE00, s10  }
0xf: {  	s31 =	sadd.s32 $0x180, s6;
	s16 =	sshrl.u32 s24, $0x3;
	s24 =	simm.s32 $0x1  }
0x10: {  	s0 =	sadd.s32 s5, s0;
	s5 =	ssub.s32 s11, s22;
	s1 =	sadd.s32 s1, s9  }
0x11: {  	[dreg:$0x5] =	wrdreg s26;
	s8 =	sshrl.u32 s21, $0x3;
	s9 =	sor.u32 $0x1C08, s30  }
0x12: {  	s21 =	simm.s32 $0x8;
	s22 =	simm.s32 $0x4;
	[dreg:$0x4] =	wrdreg s1  }
0x13: {  	s26 =	simm.s32 $0x5;
	[dreg:$0x7] =	wrdreg s9;
	s0 =	sadd.s32 $0x65E00, s0  }
0x14: {  	s9 =	sadd.s32 s7, s8;
	s5 =	smax.u32 s5, $0x1;
	[dreg:$0x9] =	wrdreg s0  }
0x15: {  	s8 =	sadd.s32 $0x10, s9;
	[dreg:$0xa] =	wrdreg s5;
	s0 =	sshrl.u32 s31, $0x3  }
0x16: {  	s13 =	sadd.s32 $0x20, s9;
	[dreg:$0x8] =	wrdreg s8;
	s6 =	sadd.s32 s0, s7  }
.LBB2_1:
0x17: {  	s0 =	rddreg [dreg:$0x4]  }
0x18: {  	s11 =	rddreg [dreg:$0x5]  }
0x19: {  	s5 =	simm.s32 $0x100;
	s1 =	rddreg [dreg:$0x7]  }
0x1a: {  	[tilespmem:s5], [sflag:$0x7] =	stream.linear.gather [hbm4b:s0+s3], $0x2780, $0x38;
	[tilespmem:$0x1E900] =	vst v63  }
0x1b: {  	[spmem:s16], [sflag:s1] =	dma.local [hbm:s11], $0x2800  }
0x1c: {  	[tilespmem:s3], [sflag:$0x9] =	stream.linear.gather [hbm4b:s9+s3], $0x80, $0x38;
	[tilespmem:$0x1E900] =	vst v63  }
0x1d: {  	_ =	swait.ge [sflag:s17], $0x80  }
0x1e: {  	[sflag:s17] =	ssyncset.done $0x0  }
0x1f: {  	[sflag:s17] =	ssyncadd.s32 $0xFFFFFF80  }
0x20: {  	[tilespmem:s19], [sflag:$0x1] =	stream.indirect.gather [hbm4b:s4+s18], $0x80, s3, s18, $0xb8;
	[tilespmem:$0x1E900] =	vst v63  }
0x21: {  	s12 =	rddreg [dreg:$0x8]  }
0x22: {  	[tilespmem:s18], [sflag:$0x4] =	stream.linear.gather [hbm4b:s12+s3], $0x80, $0x38;
	[tilespmem:$0x1E900] =	vst v63  }
0x23: {  	_ =	swait.ge [sflag:s20], $0x2780  }
0x24: {  	[sflag:s20] =	ssyncset.done $0x0  }
0x25: {  	[sflag:s20] =	ssyncadd.s32 $0xFFFFD880  }
0x26: {  	_ =	swait.ge [sflag:s21], $0x2800  }
0x27: {  	[sflag:s21] =	ssyncset.done $0x0  }
0x28: {  	[sflag:s21] =	ssyncadd.s32 $0xFFFFD800  }
0x29: {  	[bflag:$0x0] =	sbarrier.arrive $0xFFFF  }
0x2a: {  	_ =	swait.ge [sflag:s22], $0x80  }
0x2b: {  	[sflag:s22] =	ssyncset.done $0x0  }
0x2c: {  	s14 =	simm.s32 $0x6900;
	[sflag:s22] =	ssyncadd.s32 $0xFFFFFF80  }
0x2d: {  	[tilespmem:s14], [sflag:$0x2] =	stream.indirect.gather [hbm4b:s4+s18], $0x80, s18, s18, $0xb8;
	[tilespmem:$0x1E900] =	vst v63  }
0x2e: {  	_ =	swait.ge [sflag:s24], $0x4000  }
0x2f: {  	s8 =	sand.u32 $0x1, s24;
	s23 =	simm.s32 $0x180;
	[sflag:s24] =	ssyncset.done $0x0  }
0x30: {  	s30 =	simm.s32 $0x2;
	s15 =	sxor.u32 $0x1, s8;
	[sflag:s24] =	ssyncadd.s32 $0xFFFFC000  }
0x31: {  	[tilespmem:s3], [sflag:$0x3] =	stream.linear.gather [hbm4b:s13+s3], $0x80, $0x38;
	[tilespmem:$0x1E900] =	vst v63  }
0x32: {  	s31 =	simm.s32 $0x200;
	p1 =	por $0x0, $0x0;
	s25 =	sadd.s32 $0x3, s15  }
0x33: {  	[spmem:s2] =	stream.indirect.scatter.add.f32 [tilespmem:s19], [sflag:$0x5], $0x80, s5, s18, $0xb8;
	[tilespmem:$0x1E900] =	vst v63  }
0x34: {  	s0 =	sadd.s32 $0x10, s6;
	s7 =	sshll.u32 s15, $0xE;
	_ =	swait.ge [sflag:s25], $0x80  }
0x35: {  	s10 =	sadd.s32 $0x5, s15;
	s11 =	sadd.s32 $0x1, s15;
	[sflag:s25] =	ssyncset.done $0x0  }
0x36: {  	s1 =	sshll.u32 s15, $0x7;
	s15 =	sshll.u32 @!p1 s8, $0x7;
	[sflag:s25] =	ssyncadd.s32 $0xFFFFFF80  }
0x37: {  	s7 =	sor.u32 $0x2900, s7;
	s12 =	sshll.u32 s8, $0xE;
	_ =	swait.ge [sflag:s10], $0x4000  }
0x38: {  	s12 =	sor.u32 $0x2900, s12;
	s14 =	sadd.s32 $0x1, s8;
	[sflag:s10] =	ssyncset.done $0x0  }
0x39: {  	s5 =	simm.s32 $0x3;
	[sflag:s10] =	ssyncadd.s32 $0xFFFFC000;
	s10 =	sadd.s32 $0x5, s8  }
0x3a: {  	[tilespmem:s7], [sflag:s11] =	stream.indirect.gather [hbm4b:s4+s18], $0x80, s1, s18, $0xb8;
	[tilespmem:$0x1E900] =	vst v63  }
0x3b: {  	s11 =	sadd.s32 @!p1 $0x3, s8;
	s1 =	sand.u32 $0x1, s30;
	_ =	swait.ge [sflag:s14], $0x4000  }
0x3c: {  	s7 =	simm.s32 @!p1 $0x0;
	s8 =	sxor.u32 $0x1, s1;
	[sflag:s14] =	ssyncset.done $0x0  }
0x3d: {  	s25 =	sshll.u32 s1, $0xE;
	[sflag:s14] =	ssyncadd.s32 $0xFFFFC000;
	s14 =	smov.u32 s6  }
.LBB2_2:
0x3e: {  	[tilespmem:s15], [sflag:s11] =	stream.linear.gather @!p1 [hbm4b:s14+s7], $0x80, $0x38;
	[tilespmem:$0x1E900] =	vst v63  }
0x3f: {  	s7 =	smov.u32 s30;
	s30 =	smov.u32 s5;
	s14 =	smov.u32 s0  }
0x40: {  	s5 =	sadd.s32 $0x1, s5;
	s11 =	sadd.s32 $0x3, s8;
	s15 =	sshll.u32 s8, $0xE  }
0x41: {  	[spmem:s2] =	stream.indirect.scatter.add.f32 [tilespmem:s12], [sflag:s10], $0x80, s23, s18, $0xb8;
	[tilespmem:$0x1E900] =	vst v63  }
0x42: {  	p0 =	sne.s32 s5, $0x4E;
	s23 =	smov.u32 s31;
	_ =	swait.ge [sflag:s11], $0x80  }
0x43: {  	[sflag:s11] =	ssyncset.done $0x0  }
0x44: {  	s10 =	sadd.s32 $0x5, s8;
	[sflag:s11] =	ssyncadd.s32 $0xFFFFFF80  }
0x45: {  	s0 =	sadd.s32 $0x10, s0;
	s31 =	sadd.s32 $0x80, s31;
	_ =	swait.ge [sflag:s10], $0x4000  }
0x46: {  	s12 =	sadd.s32 $0x1, s1;
	s11 =	sadd.s32 $0x1, s8;
	[sflag:s10] =	ssyncset.done $0x0  }
0x47: {  	s8 =	sshll.u32 s8, $0x7;
	[sflag:s10] =	ssyncadd.s32 $0xFFFFC000;
	s10 =	sor.u32 $0x2900, s15  }
0x48: {  	[tilespmem:s10], [sflag:s11] =	stream.indirect.gather [hbm4b:s4+s18], $0x80, s8, s18, $0xb8;
	[tilespmem:$0x1E900] =	vst v63  }
.Ltmp0:
0x49: {  	_ = 	snop;
	(pc) =	sbr.rel @p0 .LBB2_2-.Ltmp0, $4  }
0x4a: {  	p1 =	sgt.u32 s7, $0x4C;
	s10 =	sadd.s32 $0x5, s1;
	_ =	swait.ge [sflag:s12], $0x4000  }
0x4b: {  	s7 =	simm.s32 @!p1 $0x0;
	s11 =	sadd.s32 @!p1 $0x3, s1;
	[sflag:s12] =	ssyncset.done $0x0  }
0x4c: {  	s15 =	sshll.u32 @!p1 s1, $0x7;
	s1 =	sand.u32 $0x1, s30;
	[sflag:s12] =	ssyncadd.s32 $0xFFFFC000  }
0x4d: {  	s8 =	sxor.u32 $0x1, s1;
	s12 =	sor.u32 $0x2900, s25;
	s25 =	sshll.u32 s1, $0xE  }
0x4e: {  	[tilespmem:s15], [sflag:s11] =	stream.linear.gather @!p1 [hbm4b:s14+s7], $0x80, $0x38;
	[tilespmem:$0x1E900] =	vst v63  }
0x4f: {  	s5 =	sadd.s32 $0x3, s8  }
0x50: {  	[spmem:s2] =	stream.indirect.scatter.add.f32 [tilespmem:s12], [sflag:s10], $0x80, s23, s18, $0xb8;
	[tilespmem:$0x1E900] =	vst v63  }
0x51: {  	_ =	swait.ge [sflag:s5], $0x80  }
0x52: {  	[sflag:s5] =	ssyncset.done $0x0  }
0x53: {  	s15 =	sadd.s32 $0x5, s8;
	[sflag:s5] =	ssyncadd.s32 $0xFFFFFF80  }
0x54: {  	s11 =	sshll.u32 s8, $0x7;
	_ =	swait.ge [sflag:s15], $0x4000  }
0x55: {  	s23 =	sshll.u32 s8, $0xE;
	s10 =	sadd.s32 $0x1, s8;
	[sflag:s15] =	ssyncset.done $0x0  }
0x56: {  	s12 =	sadd.s32 $0x1, s1;
	s7 =	sor.u32 $0x2900, s23;
	[sflag:s15] =	ssyncadd.s32 $0xFFFFC000  }
0x57: {  	[tilespmem:s7], [sflag:s10] =	stream.indirect.gather [hbm4b:s4+s18], $0x80, s11, s18, $0xb8;
	[tilespmem:$0x1E900] =	vst v63  }
0x58: {  	p0 =	sgt.u32 s30, $0x4C;
	_ =	swait.ge [sflag:s12], $0x4000  }
0x59: {  	s8 =	simm.s32 @!p0 $0x0;
	[sflag:s12] =	ssyncset.done $0x0  }
0x5a: {  	s5 =	sshll.u32 @!p0 s1, $0x7;
	s7 =	sadd.s32 @!p0 $0x3, s1;
	[sflag:s12] =	ssyncadd.s32 $0xFFFFC000  }
0x5b: {  	[tilespmem:s5], [sflag:s7] =	stream.linear.gather @!p0 [hbm4b:s0+s8], $0x80, $0x38;
	[tilespmem:$0x1E900] =	vst v63  }
0x5c: {  	s14 =	sadd.s32 $0x5, s1;
	s15 =	sor.u32 $0x2900, s25  }
0x5d: {  	[spmem:s2] =	stream.indirect.scatter.add.f32 [tilespmem:s15], [sflag:s14], $0x80, s31, s18, $0xb8;
	[tilespmem:$0x1E900] =	vst v63  }
0x5e: {  	_ =	swait.ge [sflag:s24], $0x4000  }
0x5f: {  	[sflag:s24] =	ssyncset.done $0x0  }
0x60: {  	s23 =	simm.s32 $0x2800;
	[sflag:s24] =	ssyncadd.s32 $0xFFFFC000  }
0x61: {  	[spmem:s2] =	stream.indirect.scatter.add.f32 [tilespmem:s19], [sflag:$0x5], $0x80, s23, s18, $0xb8;
	[tilespmem:$0x1E900] =	vst v63  }
0x62: {  	_ =	swait.ge [sflag:s26], $0x4000  }
0x63: {  	[sflag:s26] =	ssyncset.done $0x0  }
0x64: {  	[sflag:s26] =	ssyncadd.s32 $0xFFFFC000  }
0x65: {  	_ =	swait.ge [sflag:s28], $0x4000  }
0x66: {  	[sflag:s28] =	ssyncset.done $0x0  }
0x67: {  	[sflag:s28] =	ssyncadd.s32 $0xFFFFC000  }
0x68: {  	[bflag:$0x0] =	sbarrier.arrive $0xFFFF  }
0x69: {  	s25 =	rddreg [dreg:$0x6]  }
0x6a: {  	s30 =	rddreg [dreg:$0x9];
	s0 =	sor.u32 $0x1C09, s25  }
0x6b: {  	[hbm:s30], [sflag:s0] =	dma.local [spmem:s16], $0x2800  }
0x6c: {  	_ =	swait.ge [sflag:s17], $0x2800  }
0x6d: {  	s29 =	sadd.s32 $0x1, s29;
	s31 =	rddreg [dreg:$0xa]  }
0x6e: {  	p0 =	sne.s32 s29, s31  }
.Ltmp1:
0x6f: {  	_ = 	snop;
	(pc) =	sbr.rel @p0 .LBB2_1-.Ltmp1, $3  }
0x70: {  	_ =	sdelay $0x1  }
0x71: {  	[sflag:s17] =	ssyncset.done $0x0  }
0x72: {  	[sflag:s17] =	ssyncadd.s32 $0xFFFFD800  }
0x73: {  	_ =	sfence.sel $0x180000  }
0x74: {  	[bflag:$0x0] =	sbarrier.arrive $0xFFFF  }
0x75: {  	_ =	strace $0x9000004A  }
0x76: {  	s0 =	stileid.u32;
	[bflag:$0x2] =	sbarrier.arrive $0xFFFF  }
0x77: {  	p0 =	sne.s32 s0, $0x0;
	s0 =	rddreg [dreg:$0x3]  }
0x78: {  	s0 =	sadd.s32 @!p0 $0x100000, s0  }
0x79: {  	[sflag:s0] =	ssyncadd.tile.s32 @!p0 $0x1;
	_ =	shalt  }
.Lfunc_end2:
_tile_overlayer_lowered:
.L_overlay_start_2:
0x7a: {  	(tag) =	ssettag $0x2  }
0x7b: {  	s0 =	rddreg [dreg:$0x0];
	s2 =	stileid.u32  }
0x7c: {  	s1 =	rddreg [dreg:$0x1];
	p0 =	sne.s32 s2, $0x0  }
0x7d: {  	s3 =	rddreg [dreg:$0x2];
	[bflag:$0x3] =	sbarrier.arrive $0xFFFF;
	s2 =	simm.s32 @!p0 $0x1C09  }
0x7e: {  	[timem:s3], [sflag:s2] =	dma.local @!p0 [hbm:s0], s1  }
0x7f: {  	s0 =	simm.s32 @!p0 $0x9  }
0x80: {  	_ =	swait.ge @!p0 [sflag:s0], s1  }
0x81: {  	s1 =	ssub.s32 @!p0 $0x0, s1;
	[sflag:s0] =	ssyncset.done @!p0 $0x0  }
0x82: {  	[sflag:s0] =	ssyncadd.s32 @!p0 s1  }
0x83: {  	[bflag:$0x3] =	sbarrier.arrive $0xFFFF  }
0x84: {  	_ =	shalt  }

// kernel: kernel.14.cloned.1.call-start
scs
__scs_entry_jumppad:
0x0: {  	(pc) =	sbr.rel $0x88, $3  }
0x1: {  	(tag) =	ssettag $0x0;
	lr =	simm.s32 $0x1  }
0x2: {  	[smem:$0x3F9B] =	sst lr;
	_ =	strace $0xD0000000  }
0x3: {  	_ = 	snop  }
0x4: {  	_ = 	snop  }
0x5: {  	_ = 	snop  }
0x6: {  	_ = 	snop  }
0x7: {  	_ = 	snop  }
__scs_overlays_trampoline_lowered:
0x8: {  	[smem:$0x3FAA] =	sst s0  }
0x9: {  	[smem:$0x3FAB] =	sst s1  }
0xa: {  	[smem:$0x3FAC] =	sst s2  }
0xb: {  	[smem:$0x3FAD] =	sst s3  }
0xc: {  	[smem:$0x3FAE] =	sst s4  }
0xd: {  	[smem:$0x3FAF] =	sst s5  }
0xe: {  	[smem:$0x3FB0] =	sst s6  }
0xf: {  	[smem:$0x3FB1] =	sst s7  }
0x10: {  	[smem:$0x3FB2] =	sst s8  }
0x11: {  	[smem:$0x3FB3] =	sst s9;
	s0 =	simm.s32 @!p0 $0x0  }
0x12: {  	s1 =	sld [smem:$0x3F99];
	s0 =	simm.s32 @p0 $0x1  }
0x13: {  	[smem:$0x3FB4] =	sst s0;
	s0 =	simm.s32 @!p1 $0x0  }
0x14: {  	s2 =	sld [smem:$0x3F98];
	s0 =	simm.s32 @p1 $0x1  }
0x15: {  	[smem:$0x3FB5] =	sst s0;
	s0 =	simm.s32 @!p2 $0x0  }
0x16: {  	s3 =	sld [smem:$0x3FDB];
	s0 =	simm.s32 @p2 $0x1  }
0x17: {  	s4 =	simm.s32 $0x1BF5;
	[smem:$0x3FB7] =	sst s0  }
0x18: {  	s0 =	sld [smem:$0x3F9A];
	_ =	swait.ge [sflag:s4], $0x0  }
0x19: {  	s7 =	sld [smem:$0x3F9B]  }
0x1a: {  	s8 =	sadd.s32 $0xFFFFE003, lr  }
0x1b: {  	s9 =	sadd.s32 $0xFFFFFEF7, lr;
	s5 =	simm.s32 $0xFFFFFFFF;
	p2 =	slt.u32 s8, $0xFFFFF086  }
0x1c: {  	p1 =	slt.u32 s9, $0xF7A;
	s5 =	simm.s32 @!p2 $0x0  }
0x1d: {  	s5 =	simm.s32 @p1 $0x1;
	p0 =	seq.s32 s7, s2  }
0x1e: {  	s7 =	smul.u32 @!p0 $0xF7A, s2;
	p2 =	seq.s32 @!p0 s5, $0x0  }
0x1f: {  	s9 =	smul.u32 $0xF7A, s1;
	s8 =	simm.s32 @!p0 $0x1BF5;
	p2 =	por !p2, p0  }
0x20: {  	[sflag:s8] =	ssyncset.s32 @!p0 $0xFFFFF086;
	s6 =	sadd.s32 @!p0 s3, s7;
	s7 =	simm.s32 @!p0 $0x108  }
0x21: {  	s3 =	sadd.s32 s3, s9;
	s6 =	sadd.s32 @!p0 $0x88, s6;
	s7 =	simm.s32 @p2 $0x1082  }
0x22: {  	[simem:s7], [sflag:s8] =	dma.local @!p0 [hbm:s6], $0xF7A  }
0x23: {  	s9 =	sor.u32 $0xD0000000, s2;
	s6 =	simm.s32 $0x108;
	_ =	swait.ge @!p0 [sflag:s8], $0x0  }
0x24: {  	s3 =	sadd.s32 $0x88, s3;
	s6 =	simm.s32 @!p1 $0x1082;
	[sflag:s4] =	ssyncset.s32 $0xFFFFF086  }
0x25: {  	[simem:s6], [sflag:s4] =	dma.local [hbm:s3], $0xF7A  }
0x26: {  	[smem:$0x3F9B] =	sst s1;
	(tag) =	ssettag s2;
	_ =	strace s9  }
0x27: {  	s1 =	sld [smem:$0x3FAB]  }
0x28: {  	s2 =	sld [smem:$0x3FAC]  }
0x29: {  	s4 =	sld [smem:$0x3FAE]  }
0x2a: {  	p0 =	seq.s32 s5, $0x0;
	s5 =	sld [smem:$0x3FAF]  }
0x2b: {  	s6 =	sld [smem:$0x3FB0]  }
0x2c: {  	s7 =	sld [smem:$0x3FB1]  }
0x2d: {  	s3 =	simm.s32 $0x108;
	s8 =	sld [smem:$0x3FB2]  }
0x2e: {  	s3 =	simm.s32 @!p0 $0x1082;
	s9 =	sld [smem:$0x3FB3]  }
0x2f: {  	lr =	sadd.s32 s0, s3;
	s0 =	sld [smem:$0x3FAA]  }
0x30: {  	s3 =	sld [smem:$0x3FAD]  }
0x31: {  	[smem:$0x3FB6] =	sst s10  }
0x32: {  	s10 =	sld [smem:$0x3FB4];
	_ =	sdelay $0x3  }
0x33: {  	p0 =	seq.s32 s10, $0x1;
	s10 =	sld [smem:$0x3FB6];
	_ =	sdelay $0x3  }
0x34: {  	[smem:$0x3FB6] =	sst s10  }
0x35: {  	s10 =	sld [smem:$0x3FB5];
	_ =	sdelay $0x3  }
0x36: {  	p1 =	seq.s32 s10, $0x1;
	s10 =	sld [smem:$0x3FB6];
	_ =	sdelay $0x3  }
0x37: {  	[smem:$0x3FB6] =	sst s10  }
0x38: {  	s10 =	sld [smem:$0x3FB7]  }
0x39: {  	_ = 	snop;
	(pc) =	sbr.ind lr, $3  }
0x3a: {  	_ = 	snop  }
0x3b: {  	_ = 	snop  }
0x3c: {  	p2 =	seq.s32 s10, $0x1;
	s10 =	sld [smem:$0x3FB6]  }
0x3d: {  	_ =	shalt  }
0x3e: {  	_ =	shalt  }
0x3f: {  	_ =	shalt  }
0x40: {  	_ =	shalt  }
0x41: {  	_ =	shalt  }
0x42: {  	_ =	shalt  }
0x43: {  	_ =	shalt  }
0x44: {  	_ =	shalt  }
0x45: {  	_ =	shalt  }
0x46: {  	_ =	shalt  }
0x47: {  	_ =	shalt  }
0x48: {  	_ =	shalt  }
0x49: {  	_ =	shalt  }
0x4a: {  	_ =	shalt  }
0x4b: {  	_ =	shalt  }
0x4c: {  	_ =	shalt  }
0x4d: {  	_ =	shalt  }
0x4e: {  	_ =	shalt  }
0x4f: {  	_ =	shalt  }
0x50: {  	_ =	shalt  }
0x51: {  	_ =	shalt  }
0x52: {  	_ =	shalt  }
0x53: {  	_ =	shalt  }
0x54: {  	_ =	shalt  }
0x55: {  	_ =	shalt  }
0x56: {  	_ =	shalt  }
0x57: {  	_ =	shalt  }
0x58: {  	_ =	shalt  }
0x59: {  	_ =	shalt  }
0x5a: {  	_ =	shalt  }
0x5b: {  	_ =	shalt  }
0x5c: {  	_ =	shalt  }
0x5d: {  	_ =	shalt  }
0x5e: {  	_ =	shalt  }
0x5f: {  	_ =	shalt  }
0x60: {  	_ =	shalt  }
0x61: {  	_ =	shalt  }
0x62: {  	_ =	shalt  }
0x63: {  	_ =	shalt  }
0x64: {  	_ =	shalt  }
0x65: {  	_ =	shalt  }
0x66: {  	_ =	shalt  }
0x67: {  	_ =	shalt  }
0x68: {  	_ =	shalt  }
0x69: {  	_ =	shalt  }
0x6a: {  	_ =	shalt  }
0x6b: {  	_ =	shalt  }
0x6c: {  	_ =	shalt  }
0x6d: {  	_ =	shalt  }
0x6e: {  	_ =	shalt  }
0x6f: {  	_ =	shalt  }
0x70: {  	_ =	shalt  }
0x71: {  	_ =	shalt  }
0x72: {  	_ =	shalt  }
0x73: {  	_ =	shalt  }
0x74: {  	_ =	shalt  }
0x75: {  	_ =	shalt  }
0x76: {  	_ =	shalt  }
0x77: {  	_ =	shalt  }
0x78: {  	_ =	shalt  }
0x79: {  	_ =	shalt  }
0x7a: {  	_ =	shalt  }
0x7b: {  	_ =	shalt  }
0x7c: {  	_ =	shalt  }
0x7d: {  	_ =	shalt  }
0x7e: {  	_ =	shalt  }
0x7f: {  	_ =	shalt  }
0x80: {  	_ =	shalt  }
0x81: {  	_ =	shalt  }
0x82: {  	_ =	shalt  }
0x83: {  	_ =	shalt  }
0x84: {  	_ =	shalt  }
0x85: {  	_ =	shalt  }
0x86: {  	_ =	shalt  }
0x87: {  	_ =	shalt  }
.Lfunc_end0:
.L_simem_size_0:
called_computation.2_lowered:
.L_overlay_start_0:
0x88: {  	s2 =	sld [smem:$0x3FD9]  }
0x89: {  	s3 =	sld [smem:$0x3FFE];
	_ =	sdelay $0x1  }
0x8a: {  	s1 =	srdreg.scid  }
0x8b: {  	s0 =	sand.u32 $0x1, s1  }
0x8c: {  	s17 =	sshll.u32 s0, $0xA;
	s2 =	sadd.s32 s3, s2  }
0x8d: {  	s2 =	sadd.s32 s2, s17  }
0x8e: {  	[smem:$0x3FC2] =	sst s2  }
0x8f: {  	_ = 	snop  }
0x90: {  	s2 =	sld [smem:$0x3FD0];
	(tm) =	ssettm $0x1  }
0x91: {  	s18 =	sld [smem:$0x3FFB];
	_ =	sdelay $0x3  }
0x92: {  	_ =	strace s18  }
0x93: {  	s3 =	sld [smem:$0x3FFC];
	_ =	sdelay $0x3  }
0x94: {  	_ =	strace s3  }
0x95: {  	s3 =	sld [smem:$0x3FFD];
	_ =	sdelay $0x3  }
0x96: {  	_ =	strace s3  }
0x97: {  	_ =	strace $0x8FFFFFFF  }
0x98: {  	s19 =	sld [smem:$0x3FDB];
	_ =	sdelay $0x1  }
0x99: {  	s4 =	simm.s32 $_scs_section_size  }
0x9a: {  	s5 =	simm.s32 $_size__tile_overlayer_lowered;
	s6 =	simm.s32 $_tile_overlayer_lowered  }
0x9b: {  	s22 =	simm.s32 $0x1BFF;
	s21 =	sshll.u32 s6, $0x1;
	s3 =	sadd.s32 s4, s19  }
0x9c: {  	s7 =	simm.s32 $0x0;
	s20 =	sshll.u32 s5, $0x1;
	s5 =	sadd.s32 s21, s3  }
0x9d: {  	[timem:s7], [sflag:s22] =	dma.local [hbm:s5], s20  }
0x9e: {  	_ =	swait.ge [sflag:s22], s20  }
0x9f: {  	s4 =	ssub.s32 $0x0, s20;
	[sflag:s22] =	ssyncset.done $0x0  }
0xa0: {  	[sflag:s22] =	ssyncadd.s32 s4;
	_ =	sdelay $0x1  }
0xa1: {  	s23 =	simm.s32 $0x1B8B  }
0xa2: {  	_ =	swait.ge [sflag:s23], $0x1  }
0xa3: {  	[sflag:s23] =	ssyncset.done $0x0  }
0xa4: {  	s25 =	simm.s32 $0x1B8E;
	s24 =	sld [smem:$0x3FFE];
	[sflag:s23] =	ssyncadd.s32 $0xFFFFFFFF  }
0xa5: {  	s26 =	simm.s32 $execute0_lowered;
	[smem:$0x3FD2] =	sst s25  }
0xa6: {  	s5 =	sshll.u32 s26, $0x1;
	_ =	strace $0x8000004C;
	[dreg:$0x1] =	wrdreg $0xFFFFFFFF  }
0xa7: {  	s28 =	simm.s32 $_size_execute0_lowered;
	s3 =	sadd.s32 s3, s5;
	[dreg:$0x0] =	wrdreg $0x0  }
0xa8: {  	s5 =	sshll.u32 s28, $0x1;
	[dreg:$0x2] =	wrdreg s3  }
0xa9: {  	[dreg:$0x3] =	wrdreg s5  }
0xaa: {  	[dreg:$0x4] =	wrdreg $0xC0  }
0xab: {  	_ =	task [dreg:s7], $0x5FFFF  }
0xac: {  	[dreg:$0x1] =	wrdreg $0xFFFFFFFF  }
0xad: {  	[dreg:$0x0] =	wrdreg $0x60  }
0xae: {  	[dreg:$0x2] =	wrdreg s24  }
0xaf: {  	[dreg:$0x3] =	wrdreg s2  }
0xb0: {  	[dreg:$0x4] =	wrdreg $0xA9000  }
0xb1: {  	[dreg:$0x5] =	wrdreg $0x9  }
0xb2: {  	_ =	task.clear_ibuf [dreg:s7], $0x6FFFF;
	_ =	strace $0x9000004C  }
0xb3: {  	s29 =	simm.s32 $0x9;
	_ =	strace $0x8000004E  }
0xb4: {  	_ =	swait.ge [sflag:s29], $0x1  }
0xb5: {  	[sflag:s29] =	ssyncadd.s32 $0xFFFFFFFF  }
0xb6: {  	_ =	strace $0x9000004E  }
0xb7: {  	_ =	sfence  }
0xb8: {  	s30 =	sld [smem:$0x0];
	_ =	sdelay $0x2  }
0xb9: {  	s31 =	sshll.u32 s1, $0xD;
	s1 =	sshrl.u32 s1, $0x2  }
0xba: {  	s3 =	sand.u32 $0x4000, s31;
	s1 =	sadd.s32 s1, s30  }
0xbb: {  	s0 =	sor.u32 s3, s0;
	s1 =	sshll.u32 s1, $0x11  }
0xbc: {  	s0 =	sor.u32 s1, s0  }
0xbd: {  	s0 =	sadd.s32 $0x8F2B, s0  }
0xbe: {  	[sflag:s0] =	ssyncadd.remote.s32 $0x1  }
0xbf: {  	_ =	sfence.sel $0xFFFF  }
0xc0: {  	[dreg:$0x0] =	wrdreg $0xFFFFFFFF;
	(pc) =	sbr.abs _section_cstart, $3  }
0xc1: {  	[dreg:$0x1] =	wrdreg $0xFFFFFFFF  }
0xc2: {  	_ =	task.clear_ibuf [dreg:s7], $0x2FFFF;
	_ =	strace $0x9FFFFFFF  }
0xc3: {  	(tm) =	ssettm $0x7FFFFFFF  }
tec
execute0_lowered:
.L_overlay_start_1:
0x0: {  	(tag) =	ssettag $0x1  }
0x1: {  	s0 =	rddreg [dreg:$0x0]  }
0x2: {  	s1 =	rddreg [dreg:$0x1]  }
0x3: {  	s2 =	rddreg [dreg:$0x2];
	s3 =	simm.s32 $0x0;
	s13 =	stileid.u32  }
0x4: {  	s4 =	srdreg.scid;
	s17 =	simm.s32 $0x9;
	s18 =	simm.s32 $0x80  }
0x5: {  	s19 =	simm.s32 $0x2900;
	s20 =	simm.s32 $0x7;
	s28 =	simm.s32 $0x6  }
0x6: {  	s29 =	simm.s32 $0x0;
	[smem:$0x7FF] =	sst s3;
	s5 =	smul.u32 $0x14000, s13  }
0x7: {  	s6 =	sand.u32 $0x1, s4;
	s7 =	sadd.s32 $0xC000, s0;
	s12 =	smul.u32 $0x50000, s13  }
0x8: {  	s4 =	sadd.s32 $0x15E00, s0;
	s25 =	smul.u32 $0x2780, s13;
	s30 =	sshll.u32 s13, $0x6  }
0x9: {  	_ =	strace $0x8000004D;
	s8 =	smul.u32 $0x140000, s6;
	s9 =	sshll.u32 s6, $0x4  }
0xa: {  	s11 =	ssub.s32 $0x2, s6;
	s6 =	smul.u32 $0x27800, s6;
	[dreg:$0x6] =	wrdreg s30  }
0xb: {  	s10 =	sshrl.u32 s5, $0x3;
	s9 =	sor.u32 s13, s9;
	s22 =	sshrl.u32 s11, $0x1  }
0xc: {  	s23 =	sshrl.u32 s12, $0x2;
	s10 =	sadd.s32 s10, s0;
	s21 =	smul.u32 $0x2780, s9  }
0xd: {  	s5 =	sadd.s32 s5, s8;
	s9 =	smul.u32 $0x500, s9;
	s24 =	sadd.s32 s23, s2  }
0xe: {  	s6 =	sadd.s32 s25, s6;
	s5 =	sshrl.u32 s5, $0x3;
	s26 =	sadd.s32 $0x3DE00, s10  }
0xf: {  	s31 =	sadd.s32 $0x180, s6;
	s16 =	sshrl.u32 s24, $0x3;
	s24 =	simm.s32 $0x1  }
0x10: {  	s0 =	sadd.s32 s5, s0;
	s5 =	ssub.s32 s11, s22;
	s1 =	sadd.s32 s1, s9  }
0x11: {  	[dreg:$0x5] =	wrdreg s26;
	s8 =	sshrl.u32 s21, $0x3;
	s9 =	sor.u32 $0x1C08, s30  }
0x12: {  	s21 =	simm.s32 $0x8;
	s22 =	simm.s32 $0x4;
	[dreg:$0x4] =	wrdreg s1  }
0x13: {  	s26 =	simm.s32 $0x5;
	[dreg:$0x7] =	wrdreg s9;
	s0 =	sadd.s32 $0x65E00, s0  }
0x14: {  	s9 =	sadd.s32 s7, s8;
	s5 =	smax.u32 s5, $0x1;
	[dreg:$0x9] =	wrdreg s0  }
0x15: {  	s8 =	sadd.s32 $0x10, s9;
	[dreg:$0xa] =	wrdreg s5;
	s0 =	sshrl.u32 s31, $0x3  }
0x16: {  	s13 =	sadd.s32 $0x20, s9;
	[dreg:$0x8] =	wrdreg s8;
	s6 =	sadd.s32 s0, s7  }
.LBB2_1:
0x17: {  	s0 =	rddreg [dreg:$0x4]  }
0x18: {  	s11 =	rddreg [dreg:$0x5]  }
0x19: {  	s5 =	simm.s32 $0x100;
	s1 =	rddreg [dreg:$0x7]  }
0x1a: {  	[tilespmem:s5], [sflag:$0x7] =	stream.linear.gather [hbm4b:s0+s3], $0x2780, $0x38;
	[tilespmem:$0x1E900] =	vst v63  }
0x1b: {  	[spmem:s16], [sflag:s1] =	dma.local [hbm:s11], $0x2800  }
0x1c: {  	[tilespmem:s3], [sflag:$0x9] =	stream.linear.gather [hbm4b:s9+s3], $0x80, $0x38;
	[tilespmem:$0x1E900] =	vst v63  }
0x1d: {  	_ =	swait.ge [sflag:s17], $0x80  }
0x1e: {  	[sflag:s17] =	ssyncset.done $0x0  }
0x1f: {  	[sflag:s17] =	ssyncadd.s32 $0xFFFFFF80  }
0x20: {  	[tilespmem:s19], [sflag:$0x1] =	stream.indirect.gather [hbm4b:s4+s18], $0x80, s3, s18, $0xb8;
	[tilespmem:$0x1E900] =	vst v63  }
0x21: {  	s12 =	rddreg [dreg:$0x8]  }
0x22: {  	[tilespmem:s18], [sflag:$0x4] =	stream.linear.gather [hbm4b:s12+s3], $0x80, $0x38;
	[tilespmem:$0x1E900] =	vst v63  }
0x23: {  	_ =	swait.ge [sflag:s20], $0x2780  }
0x24: {  	[sflag:s20] =	ssyncset.done $0x0  }
0x25: {  	[sflag:s20] =	ssyncadd.s32 $0xFFFFD880  }
0x26: {  	_ =	swait.ge [sflag:s21], $0x2800  }
0x27: {  	[sflag:s21] =	ssyncset.done $0x0  }
0x28: {  	[sflag:s21] =	ssyncadd.s32 $0xFFFFD800  }
0x29: {  	[bflag:$0x0] =	sbarrier.arrive $0xFFFF  }
0x2a: {  	_ =	swait.ge [sflag:s22], $0x80  }
0x2b: {  	[sflag:s22] =	ssyncset.done $0x0  }
0x2c: {  	s14 =	simm.s32 $0x6900;
	[sflag:s22] =	ssyncadd.s32 $0xFFFFFF80  }
0x2d: {  	[tilespmem:s14], [sflag:$0x2] =	stream.indirect.gather [hbm4b:s4+s18], $0x80, s18, s18, $0xb8;
	[tilespmem:$0x1E900] =	vst v63  }
0x2e: {  	_ =	swait.ge [sflag:s24], $0x4000  }
0x2f: {  	s8 =	sand.u32 $0x1, s24;
	s23 =	simm.s32 $0x180;
	[sflag:s24] =	ssyncset.done $0x0  }
0x30: {  	s30 =	simm.s32 $0x2;
	s15 =	sxor.u32 $0x1, s8;
	[sflag:s24] =	ssyncadd.s32 $0xFFFFC000  }
0x31: {  	[tilespmem:s3], [sflag:$0x3] =	stream.linear.gather [hbm4b:s13+s3], $0x80, $0x38;
	[tilespmem:$0x1E900] =	vst v63  }
0x32: {  	s31 =	simm.s32 $0x200;
	p1 =	por $0x0, $0x0;
	s25 =	sadd.s32 $0x3, s15  }
0x33: {  	[spmem:s2] =	stream.indirect.scatter.add.f32 [tilespmem:s19], [sflag:$0x5], $0x80, s5, s18, $0xb8;
	[tilespmem:$0x1E900] =	vst v63  }
0x34: {  	s0 =	sadd.s32 $0x10, s6;
	s7 =	sshll.u32 s15, $0xE;
	_ =	swait.ge [sflag:s25], $0x80  }
0x35: {  	s10 =	sadd.s32 $0x5, s15;
	s11 =	sadd.s32 $0x1, s15;
	[sflag:s25] =	ssyncset.done $0x0  }
0x36: {  	s1 =	sshll.u32 s15, $0x7;
	s15 =	sshll.u32 @!p1 s8, $0x7;
	[sflag:s25] =	ssyncadd.s32 $0xFFFFFF80  }
0x37: {  	s7 =	sor.u32 $0x2900, s7;
	s12 =	sshll.u32 s8, $0xE;
	_ =	swait.ge [sflag:s10], $0x4000  }
0x38: {  	s12 =	sor.u32 $0x2900, s12;
	s14 =	sadd.s32 $0x1, s8;
	[sflag:s10] =	ssyncset.done $0x0  }
0x39: {  	s5 =	simm.s32 $0x3;
	[sflag:s10] =	ssyncadd.s32 $0xFFFFC000;
	s10 =	sadd.s32 $0x5, s8  }
0x3a: {  	[tilespmem:s7], [sflag:s11] =	stream.indirect.gather [hbm4b:s4+s18], $0x80, s1, s18, $0xb8;
	[tilespmem:$0x1E900] =	vst v63  }
0x3b: {  	s11 =	sadd.s32 @!p1 $0x3, s8;
	s1 =	sand.u32 $0x1, s30;
	_ =	swait.ge [sflag:s14], $0x4000  }
0x3c: {  	s7 =	simm.s32 @!p1 $0x0;
	s8 =	sxor.u32 $0x1, s1;
	[sflag:s14] =	ssyncset.done $0x0  }
0x3d: {  	s25 =	sshll.u32 s1, $0xE;
	[sflag:s14] =	ssyncadd.s32 $0xFFFFC000;
	s14 =	smov.u32 s6  }
.LBB2_2:
0x3e: {  	[tilespmem:s15], [sflag:s11] =	stream.linear.gather @!p1 [hbm4b:s14+s7], $0x80, $0x38;
	[tilespmem:$0x1E900] =	vst v63  }
0x3f: {  	s7 =	smov.u32 s30;
	s30 =	smov.u32 s5;
	s14 =	smov.u32 s0  }
0x40: {  	s5 =	sadd.s32 $0x1, s5;
	s11 =	sadd.s32 $0x3, s8;
	s15 =	sshll.u32 s8, $0xE  }
0x41: {  	[spmem:s2] =	stream.indirect.scatter.add.f32 [tilespmem:s12], [sflag:s10], $0x80, s23, s18, $0xb8;
	[tilespmem:$0x1E900] =	vst v63  }
0x42: {  	p0 =	sne.s32 s5, $0x4E;
	s23 =	smov.u32 s31;
	_ =	swait.ge [sflag:s11], $0x80  }
0x43: {  	[sflag:s11] =	ssyncset.done $0x0  }
0x44: {  	s10 =	sadd.s32 $0x5, s8;
	[sflag:s11] =	ssyncadd.s32 $0xFFFFFF80  }
0x45: {  	s0 =	sadd.s32 $0x10, s0;
	s31 =	sadd.s32 $0x80, s31;
	_ =	swait.ge [sflag:s10], $0x4000  }
0x46: {  	s12 =	sadd.s32 $0x1, s1;
	s11 =	sadd.s32 $0x1, s8;
	[sflag:s10] =	ssyncset.done $0x0  }
0x47: {  	s8 =	sshll.u32 s8, $0x7;
	[sflag:s10] =	ssyncadd.s32 $0xFFFFC000;
	s10 =	sor.u32 $0x2900, s15  }
0x48: {  	[tilespmem:s10], [sflag:s11] =	stream.indirect.gather [hbm4b:s4+s18], $0x80, s8, s18, $0xb8;
	[tilespmem:$0x1E900] =	vst v63  }
.Ltmp0:
0x49: {  	_ = 	snop;
	(pc) =	sbr.rel @p0 .LBB2_2-.Ltmp0, $4  }
0x4a: {  	p1 =	sgt.u32 s7, $0x4C;
	s10 =	sadd.s32 $0x5, s1;
	_ =	swait.ge [sflag:s12], $0x4000  }
0x4b: {  	s7 =	simm.s32 @!p1 $0x0;
	s11 =	sadd.s32 @!p1 $0x3, s1;
	[sflag:s12] =	ssyncset.done $0x0  }
0x4c: {  	s15 =	sshll.u32 @!p1 s1, $0x7;
	s1 =	sand.u32 $0x1, s30;
	[sflag:s12] =	ssyncadd.s32 $0xFFFFC000  }
0x4d: {  	s8 =	sxor.u32 $0x1, s1;
	s12 =	sor.u32 $0x2900, s25;
	s25 =	sshll.u32 s1, $0xE  }
0x4e: {  	[tilespmem:s15], [sflag:s11] =	stream.linear.gather @!p1 [hbm4b:s14+s7], $0x80, $0x38;
	[tilespmem:$0x1E900] =	vst v63  }
0x4f: {  	s5 =	sadd.s32 $0x3, s8  }
0x50: {  	[spmem:s2] =	stream.indirect.scatter.add.f32 [tilespmem:s12], [sflag:s10], $0x80, s23, s18, $0xb8;
	[tilespmem:$0x1E900] =	vst v63  }
0x51: {  	_ =	swait.ge [sflag:s5], $0x80  }
0x52: {  	[sflag:s5] =	ssyncset.done $0x0  }
0x53: {  	s15 =	sadd.s32 $0x5, s8;
	[sflag:s5] =	ssyncadd.s32 $0xFFFFFF80  }
0x54: {  	s11 =	sshll.u32 s8, $0x7;
	_ =	swait.ge [sflag:s15], $0x4000  }
0x55: {  	s23 =	sshll.u32 s8, $0xE;
	s10 =	sadd.s32 $0x1, s8;
	[sflag:s15] =	ssyncset.done $0x0  }
0x56: {  	s12 =	sadd.s32 $0x1, s1;
	s7 =	sor.u32 $0x2900, s23;
	[sflag:s15] =	ssyncadd.s32 $0xFFFFC000  }
0x57: {  	[tilespmem:s7], [sflag:s10] =	stream.indirect.gather [hbm4b:s4+s18], $0x80, s11, s18, $0xb8;
	[tilespmem:$0x1E900] =	vst v63  }
0x58: {  	p0 =	sgt.u32 s30, $0x4C;
	_ =	swait.ge [sflag:s12], $0x4000  }
0x59: {  	s8 =	simm.s32 @!p0 $0x0;
	[sflag:s12] =	ssyncset.done $0x0  }
0x5a: {  	s5 =	sshll.u32 @!p0 s1, $0x7;
	s7 =	sadd.s32 @!p0 $0x3, s1;
	[sflag:s12] =	ssyncadd.s32 $0xFFFFC000  }
0x5b: {  	[tilespmem:s5], [sflag:s7] =	stream.linear.gather @!p0 [hbm4b:s0+s8], $0x80, $0x38;
	[tilespmem:$0x1E900] =	vst v63  }
0x5c: {  	s14 =	sadd.s32 $0x5, s1;
	s15 =	sor.u32 $0x2900, s25  }
0x5d: {  	[spmem:s2] =	stream.indirect.scatter.add.f32 [tilespmem:s15], [sflag:s14], $0x80, s31, s18, $0xb8;
	[tilespmem:$0x1E900] =	vst v63  }
0x5e: {  	_ =	swait.ge [sflag:s24], $0x4000  }
0x5f: {  	[sflag:s24] =	ssyncset.done $0x0  }
0x60: {  	s23 =	simm.s32 $0x2800;
	[sflag:s24] =	ssyncadd.s32 $0xFFFFC000  }
0x61: {  	[spmem:s2] =	stream.indirect.scatter.add.f32 [tilespmem:s19], [sflag:$0x5], $0x80, s23, s18, $0xb8;
	[tilespmem:$0x1E900] =	vst v63  }
0x62: {  	_ =	swait.ge [sflag:s26], $0x4000  }
0x63: {  	[sflag:s26] =	ssyncset.done $0x0  }
0x64: {  	[sflag:s26] =	ssyncadd.s32 $0xFFFFC000  }
0x65: {  	_ =	swait.ge [sflag:s28], $0x4000  }
0x66: {  	[sflag:s28] =	ssyncset.done $0x0  }
0x67: {  	[sflag:s28] =	ssyncadd.s32 $0xFFFFC000  }
0x68: {  	[bflag:$0x0] =	sbarrier.arrive $0xFFFF  }
0x69: {  	s25 =	rddreg [dreg:$0x6]  }
0x6a: {  	s30 =	rddreg [dreg:$0x9];
	s0 =	sor.u32 $0x1C09, s25  }
0x6b: {  	[hbm:s30], [sflag:s0] =	dma.local [spmem:s16], $0x2800  }
0x6c: {  	_ =	swait.ge [sflag:s17], $0x2800  }
0x6d: {  	s29 =	sadd.s32 $0x1, s29;
	s31 =	rddreg [dreg:$0xa]  }
0x6e: {  	p0 =	sne.s32 s29, s31  }
.Ltmp1:
0x6f: {  	_ = 	snop;
	(pc) =	sbr.rel @p0 .LBB2_1-.Ltmp1, $3  }
0x70: {  	_ =	sdelay $0x1  }
0x71: {  	[sflag:s17] =	ssyncset.done $0x0  }
0x72: {  	[sflag:s17] =	ssyncadd.s32 $0xFFFFD800  }
0x73: {  	_ =	sfence.sel $0x180000  }
0x74: {  	[bflag:$0x0] =	sbarrier.arrive $0xFFFF  }
0x75: {  	_ =	strace $0x9000004D  }
0x76: {  	s0 =	stileid.u32;
	[bflag:$0x2] =	sbarrier.arrive $0xFFFF  }
0x77: {  	p0 =	sne.s32 s0, $0x0;
	s0 =	rddreg [dreg:$0x3]  }
0x78: {  	s0 =	sadd.s32 @!p0 $0x100000, s0  }
0x79: {  	[sflag:s0] =	ssyncadd.tile.s32 @!p0 $0x1;
	_ =	shalt  }
.Lfunc_end2:
_tile_overlayer_lowered:
.L_overlay_start_2:
0x7a: {  	(tag) =	ssettag $0x2  }
0x7b: {  	s0 =	rddreg [dreg:$0x0];
	s2 =	stileid.u32  }
0x7c: {  	s1 =	rddreg [dreg:$0x1];
	p0 =	sne.s32 s2, $0x0  }
0x7d: {  	s3 =	rddreg [dreg:$0x2];
	[bflag:$0x3] =	sbarrier.arrive $0xFFFF;
	s2 =	simm.s32 @!p0 $0x1C09  }
0x7e: {  	[timem:s3], [sflag:s2] =	dma.local @!p0 [hbm:s0], s1  }
0x7f: {  	s0 =	simm.s32 @!p0 $0x9  }
0x80: {  	_ =	swait.ge @!p0 [sflag:s0], s1  }
0x81: {  	s1 =	ssub.s32 @!p0 $0x0, s1;
	[sflag:s0] =	ssyncset.done @!p0 $0x0  }
0x82: {  	[sflag:s0] =	ssyncadd.s32 @!p0 s1  }
0x83: {  	[bflag:$0x3] =	sbarrier.arrive $0xFFFF  }
0x84: {  	_ =	shalt  }

// kernel: kernel.8.cloned.1.call-start
scs
__scs_entry_jumppad:
0x0: {  	(pc) =	sbr.rel $0x88, $3  }
0x1: {  	(tag) =	ssettag $0x0;
	lr =	simm.s32 $0x1  }
0x2: {  	[smem:$0x3F9B] =	sst lr;
	_ =	strace $0xD0000000  }
0x3: {  	_ = 	snop  }
0x4: {  	_ = 	snop  }
0x5: {  	_ = 	snop  }
0x6: {  	_ = 	snop  }
0x7: {  	_ = 	snop  }
__scs_overlays_trampoline_lowered:
0x8: {  	[smem:$0x3FAA] =	sst s0  }
0x9: {  	[smem:$0x3FAB] =	sst s1  }
0xa: {  	[smem:$0x3FAC] =	sst s2  }
0xb: {  	[smem:$0x3FAD] =	sst s3  }
0xc: {  	[smem:$0x3FAE] =	sst s4  }
0xd: {  	[smem:$0x3FAF] =	sst s5  }
0xe: {  	[smem:$0x3FB0] =	sst s6  }
0xf: {  	[smem:$0x3FB1] =	sst s7  }
0x10: {  	[smem:$0x3FB2] =	sst s8  }
0x11: {  	[smem:$0x3FB3] =	sst s9;
	s0 =	simm.s32 @!p0 $0x0  }
0x12: {  	s1 =	sld [smem:$0x3F99];
	s0 =	simm.s32 @p0 $0x1  }
0x13: {  	[smem:$0x3FB4] =	sst s0;
	s0 =	simm.s32 @!p1 $0x0  }
0x14: {  	s2 =	sld [smem:$0x3F98];
	s0 =	simm.s32 @p1 $0x1  }
0x15: {  	[smem:$0x3FB5] =	sst s0;
	s0 =	simm.s32 @!p2 $0x0  }
0x16: {  	s3 =	sld [smem:$0x3FDB];
	s0 =	simm.s32 @p2 $0x1  }
0x17: {  	s4 =	simm.s32 $0x1BF5;
	[smem:$0x3FB7] =	sst s0  }
0x18: {  	s0 =	sld [smem:$0x3F9A];
	_ =	swait.ge [sflag:s4], $0x0  }
0x19: {  	s7 =	sld [smem:$0x3F9B]  }
0x1a: {  	s8 =	sadd.s32 $0xFFFFE003, lr  }
0x1b: {  	s9 =	sadd.s32 $0xFFFFFEF7, lr;
	s5 =	simm.s32 $0xFFFFFFFF;
	p2 =	slt.u32 s8, $0xFFFFF086  }
0x1c: {  	p1 =	slt.u32 s9, $0xF7A;
	s5 =	simm.s32 @!p2 $0x0  }
0x1d: {  	s5 =	simm.s32 @p1 $0x1;
	p0 =	seq.s32 s7, s2  }
0x1e: {  	s7 =	smul.u32 @!p0 $0xF7A, s2;
	p2 =	seq.s32 @!p0 s5, $0x0  }
0x1f: {  	s9 =	smul.u32 $0xF7A, s1;
	s8 =	simm.s32 @!p0 $0x1BF5;
	p2 =	por !p2, p0  }
0x20: {  	[sflag:s8] =	ssyncset.s32 @!p0 $0xFFFFF086;
	s6 =	sadd.s32 @!p0 s3, s7;
	s7 =	simm.s32 @!p0 $0x108  }
0x21: {  	s3 =	sadd.s32 s3, s9;
	s6 =	sadd.s32 @!p0 $0x88, s6;
	s7 =	simm.s32 @p2 $0x1082  }
0x22: {  	[simem:s7], [sflag:s8] =	dma.local @!p0 [hbm:s6], $0xF7A  }
0x23: {  	s9 =	sor.u32 $0xD0000000, s2;
	s6 =	simm.s32 $0x108;
	_ =	swait.ge @!p0 [sflag:s8], $0x0  }
0x24: {  	s3 =	sadd.s32 $0x88, s3;
	s6 =	simm.s32 @!p1 $0x1082;
	[sflag:s4] =	ssyncset.s32 $0xFFFFF086  }
0x25: {  	[simem:s6], [sflag:s4] =	dma.local [hbm:s3], $0xF7A  }
0x26: {  	[smem:$0x3F9B] =	sst s1;
	(tag) =	ssettag s2;
	_ =	strace s9  }
0x27: {  	s1 =	sld [smem:$0x3FAB]  }
0x28: {  	s2 =	sld [smem:$0x3FAC]  }
0x29: {  	s4 =	sld [smem:$0x3FAE]  }
0x2a: {  	p0 =	seq.s32 s5, $0x0;
	s5 =	sld [smem:$0x3FAF]  }
0x2b: {  	s6 =	sld [smem:$0x3FB0]  }
0x2c: {  	s7 =	sld [smem:$0x3FB1]  }
0x2d: {  	s3 =	simm.s32 $0x108;
	s8 =	sld [smem:$0x3FB2]  }
0x2e: {  	s3 =	simm.s32 @!p0 $0x1082;
	s9 =	sld [smem:$0x3FB3]  }
0x2f: {  	lr =	sadd.s32 s0, s3;
	s0 =	sld [smem:$0x3FAA]  }
0x30: {  	s3 =	sld [smem:$0x3FAD]  }
0x31: {  	[smem:$0x3FB6] =	sst s10  }
0x32: {  	s10 =	sld [smem:$0x3FB4];
	_ =	sdelay $0x3  }
0x33: {  	p0 =	seq.s32 s10, $0x1;
	s10 =	sld [smem:$0x3FB6];
	_ =	sdelay $0x3  }
0x34: {  	[smem:$0x3FB6] =	sst s10  }
0x35: {  	s10 =	sld [smem:$0x3FB5];
	_ =	sdelay $0x3  }
0x36: {  	p1 =	seq.s32 s10, $0x1;
	s10 =	sld [smem:$0x3FB6];
	_ =	sdelay $0x3  }
0x37: {  	[smem:$0x3FB6] =	sst s10  }
0x38: {  	s10 =	sld [smem:$0x3FB7]  }
0x39: {  	_ = 	snop;
	(pc) =	sbr.ind lr, $3  }
0x3a: {  	_ = 	snop  }
0x3b: {  	_ = 	snop  }
0x3c: {  	p2 =	seq.s32 s10, $0x1;
	s10 =	sld [smem:$0x3FB6]  }
0x3d: {  	_ =	shalt  }
0x3e: {  	_ =	shalt  }
0x3f: {  	_ =	shalt  }
0x40: {  	_ =	shalt  }
0x41: {  	_ =	shalt  }
0x42: {  	_ =	shalt  }
0x43: {  	_ =	shalt  }
0x44: {  	_ =	shalt  }
0x45: {  	_ =	shalt  }
0x46: {  	_ =	shalt  }
0x47: {  	_ =	shalt  }
0x48: {  	_ =	shalt  }
0x49: {  	_ =	shalt  }
0x4a: {  	_ =	shalt  }
0x4b: {  	_ =	shalt  }
0x4c: {  	_ =	shalt  }
0x4d: {  	_ =	shalt  }
0x4e: {  	_ =	shalt  }
0x4f: {  	_ =	shalt  }
0x50: {  	_ =	shalt  }
0x51: {  	_ =	shalt  }
0x52: {  	_ =	shalt  }
0x53: {  	_ =	shalt  }
0x54: {  	_ =	shalt  }
0x55: {  	_ =	shalt  }
0x56: {  	_ =	shalt  }
0x57: {  	_ =	shalt  }
0x58: {  	_ =	shalt  }
0x59: {  	_ =	shalt  }
0x5a: {  	_ =	shalt  }
0x5b: {  	_ =	shalt  }
0x5c: {  	_ =	shalt  }
0x5d: {  	_ =	shalt  }
0x5e: {  	_ =	shalt  }
0x5f: {  	_ =	shalt  }
0x60: {  	_ =	shalt  }
0x61: {  	_ =	shalt  }
0x62: {  	_ =	shalt  }
0x63: {  	_ =	shalt  }
0x64: {  	_ =	shalt  }
0x65: {  	_ =	shalt  }
0x66: {  	_ =	shalt  }
0x67: {  	_ =	shalt  }
0x68: {  	_ =	shalt  }
0x69: {  	_ =	shalt  }
0x6a: {  	_ =	shalt  }
0x6b: {  	_ =	shalt  }
0x6c: {  	_ =	shalt  }
0x6d: {  	_ =	shalt  }
0x6e: {  	_ =	shalt  }
0x6f: {  	_ =	shalt  }
0x70: {  	_ =	shalt  }
0x71: {  	_ =	shalt  }
0x72: {  	_ =	shalt  }
0x73: {  	_ =	shalt  }
0x74: {  	_ =	shalt  }
0x75: {  	_ =	shalt  }
0x76: {  	_ =	shalt  }
0x77: {  	_ =	shalt  }
0x78: {  	_ =	shalt  }
0x79: {  	_ =	shalt  }
0x7a: {  	_ =	shalt  }
0x7b: {  	_ =	shalt  }
0x7c: {  	_ =	shalt  }
0x7d: {  	_ =	shalt  }
0x7e: {  	_ =	shalt  }
0x7f: {  	_ =	shalt  }
0x80: {  	_ =	shalt  }
0x81: {  	_ =	shalt  }
0x82: {  	_ =	shalt  }
0x83: {  	_ =	shalt  }
0x84: {  	_ =	shalt  }
0x85: {  	_ =	shalt  }
0x86: {  	_ =	shalt  }
0x87: {  	_ =	shalt  }
.Lfunc_end0:
.L_simem_size_0:
called_computation_lowered:
.L_overlay_start_0:
0x88: {  	s2 =	sld [smem:$0x3FD9]  }
0x89: {  	s3 =	sld [smem:$0x3FFE];
	_ =	sdelay $0x1  }
0x8a: {  	s1 =	srdreg.scid  }
0x8b: {  	s0 =	sand.u32 $0x1, s1  }
0x8c: {  	s16 =	sshll.u32 s0, $0xA;
	s2 =	sadd.s32 s3, s2  }
0x8d: {  	s2 =	sadd.s32 s2, s16  }
0x8e: {  	[smem:$0x3FC2] =	sst s2  }
0x8f: {  	_ = 	snop  }
0x90: {  	(tm) =	ssettm $0x1  }
0x91: {  	s17 =	sld [smem:$0x3FFB];
	_ =	sdelay $0x3  }
0x92: {  	_ =	strace s17  }
0x93: {  	s2 =	sld [smem:$0x3FFC];
	_ =	sdelay $0x3  }
0x94: {  	_ =	strace s2  }
0x95: {  	s2 =	sld [smem:$0x3FFD];
	_ =	sdelay $0x3  }
0x96: {  	_ =	strace s2  }
0x97: {  	_ =	strace $0x8FFFFFFF  }
0x98: {  	s18 =	sld [smem:$0x3FDB];
	_ =	sdelay $0x1  }
0x99: {  	s19 =	simm.s32 $_scs_section_size  }
0x9a: {  	s4 =	simm.s32 $_size__tile_overlayer_lowered;
	s5 =	simm.s32 $_tile_overlayer_lowered  }
0x9b: {  	s22 =	simm.s32 $0x1BFF;
	s21 =	sshll.u32 s5, $0x1;
	s2 =	sadd.s32 s19, s18  }
0x9c: {  	s6 =	simm.s32 $0x0;
	s20 =	sshll.u32 s4, $0x1;
	s4 =	sadd.s32 s21, s2  }
0x9d: {  	[timem:s6], [sflag:s22] =	dma.local [hbm:s4], s20  }
0x9e: {  	_ =	swait.ge [sflag:s22], s20  }
0x9f: {  	s3 =	ssub.s32 $0x0, s20;
	[sflag:s22] =	ssyncset.done $0x0  }
0xa0: {  	[sflag:s22] =	ssyncadd.s32 s3;
	_ =	sdelay $0x1  }
0xa1: {  	s23 =	simm.s32 $0x1B8B  }
0xa2: {  	_ =	swait.ge [sflag:s23], $0x1  }
0xa3: {  	[sflag:s23] =	ssyncset.done $0x0  }
0xa4: {  	s25 =	simm.s32 $0x1B8E;
	s24 =	sld [smem:$0x3FFE];
	[sflag:s23] =	ssyncadd.s32 $0xFFFFFFFF  }
0xa5: {  	s26 =	simm.s32 $execute0_lowered;
	[smem:$0x3FD2] =	sst s25  }
0xa6: {  	s4 =	sshll.u32 s26, $0x1;
	_ =	strace $0x80000046;
	[dreg:$0x1] =	wrdreg $0xFFFFFFFF  }
0xa7: {  	s28 =	simm.s32 $_size_execute0_lowered;
	s2 =	sadd.s32 s2, s4;
	[dreg:$0x0] =	wrdreg $0x0  }
0xa8: {  	s4 =	sshll.u32 s28, $0x1;
	[dreg:$0x2] =	wrdreg s2  }
0xa9: {  	[dreg:$0x3] =	wrdreg s4  }
0xaa: {  	[dreg:$0x4] =	wrdreg $0xC0  }
0xab: {  	_ =	task [dreg:s6], $0x5FFFF  }
0xac: {  	[dreg:$0x1] =	wrdreg $0xFFFFFFFF  }
0xad: {  	[dreg:$0x0] =	wrdreg $0x60  }
0xae: {  	[dreg:$0x2] =	wrdreg s24  }
0xaf: {  	[dreg:$0x3] =	wrdreg $0x9  }
0xb0: {  	_ =	task.clear_ibuf [dreg:s6], $0x4FFFF;
	_ =	strace $0x90000046  }
0xb1: {  	s29 =	simm.s32 $0x9;
	_ =	strace $0x80000048  }
0xb2: {  	_ =	swait.ge [sflag:s29], $0x1  }
0xb3: {  	[sflag:s29] =	ssyncadd.s32 $0xFFFFFFFF  }
0xb4: {  	_ =	strace $0x90000048  }
0xb5: {  	_ =	sfence  }
0xb6: {  	s30 =	sld [smem:$0x0];
	_ =	sdelay $0x2  }
0xb7: {  	s31 =	sshll.u32 s1, $0xD;
	s1 =	sshrl.u32 s1, $0x2  }
0xb8: {  	s3 =	sand.u32 $0x4000, s31;
	s1 =	sadd.s32 s1, s30  }
0xb9: {  	s0 =	sor.u32 s3, s0;
	s1 =	sshll.u32 s1, $0x11  }
0xba: {  	s0 =	sor.u32 s1, s0  }
0xbb: {  	s0 =	sadd.s32 $0x8F2B, s0  }
0xbc: {  	[sflag:s0] =	ssyncadd.remote.s32 $0x1  }
0xbd: {  	_ =	sfence.sel $0xFFFF  }
0xbe: {  	[dreg:$0x0] =	wrdreg $0xFFFFFFFF;
	(pc) =	sbr.abs _section_cstart, $3  }
0xbf: {  	[dreg:$0x1] =	wrdreg $0xFFFFFFFF  }
0xc0: {  	_ =	task.clear_ibuf [dreg:s6], $0x2FFFF;
	_ =	strace $0x9FFFFFFF  }
0xc1: {  	(tm) =	ssettm $0x7FFFFFFF  }
tec
execute0_lowered:
.L_overlay_start_1:
0x0: {  	(tag) =	ssettag $0x1  }
0x1: {  	s0 =	srdreg.scid  }
0x2: {  	s4 =	rddreg [dreg:$0x0];
	s2 =	simm.s32 $0x0;
	s3 =	sand.u32 $0x1, s0  }
0x3: {  	s7 =	simm.s32 $0x2780;
	s0 =	stileid.u32;
	s1 =	sshll.u32 s3, $0x4  }
0x4: {  	s8 =	simm.s32 $0x80;
	s9 =	simm.s32 $0x400;
	s5 =	sor.u32 s0, s1  }
0x5: {  	s10 =	simm.s32 $0x0;
	[smem:$0x7FF] =	sst s2;
	s6 =	smul.u32 $0x4F0, s5  }
0x6: {  	s3 =	ssub.s32 $0x2, s3;
	s1 =	rddreg [dreg:$0x1];
	s5 =	smul.u32 $0x2800, s5  }
0x7: {  	_ =	strace $0x80000047;
	s31 =	sshrl.u32 s3, $0x1;
	s6 =	sadd.s32 s6, s4  }
0x8: {  	s4 =	sadd.s32 s5, s4;
	s5 =	ssub.s32 s3, s31;
	s3 =	sadd.s32 $0x2200, s6  }
0x9: {  	v0 =	vimm.s32 $0x0;
	v1 =	vimm.s32 $0x1;
	s4 =	sadd.s32 $0x15E00, s4;
	s5 =	smax.u32 s5, $0x1;
	s6 =	simm.s32 $0x1  }
.LBB2_1:
0xa: {  	[tilespmem:s2], [sflag:$0x1] =	stream.linear.gather [hbm4b:s3+s2], $0x2780, $0x38;
	[tilespmem:$0x4F80] =	vst v63  }
0xb: {  	_ =	swait.ge [sflag:s6], $0x2780  }
0xc: {  	[sflag:s6] =	ssyncset.done $0x0  }
0xd: {  	s11 =	simm.s32 $0x0;
	[sflag:s6] =	ssyncadd.s32 $0xFFFFD880  }
.LBB2_2:
0xe: {  	p0 =	sne.s32 s11, $0x9FC0  }
.Ltmp0:
0xf: {  	_ = 	snop;
	(pc) =	sbr.rel @p0 .LBB2_2-.Ltmp0, $3  }
0x10: {  	_ =	sdelay $0x1  }
0x11: {  	s12 =	sshra.s32 s11, $0x2  }
0x12: {  	s11 =	sadd.s32 $0x40, s11;
	[tilespmem:s12+$0x2780] =	vst v0  }
0x13: {  	s12 =	simm.s32 $0x0;
	s11 =	simm.s32 $0x40  }
.LBB2_4:
0x14: {  	p0 =	sne.s32 s11, $0x9DC0;
	v2 =	vld [tilespmem:s12+$0x0];
	_ =	sdelay $0x3  }
.Ltmp1:
0x15: {  	(pc) =	sbr.rel @p0 .LBB2_4-.Ltmp1, $2  }
0x16: {  	_ =	sdelay $0x2  }
0x17: {  	s12 =	sshra.s32 s11, $0x2;
	s11 =	sadd.s32 $0x40, s11;
	[tilespmem:v2+s7+$0x0] =	vst.idx.add.s32.msk $0xffff, v1  }
0x18: {  	v2 =	vld [tilespmem:s12+$0x0];
	_ =	sdelay $0x5  }
0x19: {  	s10 =	sadd.s32 $0x1, s10  }
0x1a: {  	p0 =	sne.s32 s10, s5  }
.Ltmp2:
0x1b: {  	[tilespmem:v2+s7+$0x0] =	vst.idx.add.s32.msk $0xffff, v1;
	(pc) =	sbr.rel @p0 .LBB2_1-.Ltmp2, $4  }
0x1c: {  	[hbm4b:s4+s8] =	stream.strided.scatter [tilespmem:s7], [sflag:$0x1], $0x2800, s9, s8, $0x38;
	[tilespmem:$0x4F80] =	vst v63  }
0x1d: {  	_ =	swait.ge [sflag:s6], $0x2800  }
0x1e: {  	[sflag:s6] =	ssyncset.done $0x0  }
0x1f: {  	[sflag:s6] =	ssyncadd.s32 $0xFFFFD800  }
0x20: {  	_ =	sfence.sel $0x180000  }
0x21: {  	[bflag:$0x0] =	sbarrier.arrive $0xFFFF  }
0x22: {  	p0 =	sne.s32 s0, $0x0;
	_ =	strace $0x90000047  }
0x23: {  	s0 =	sadd.s32 @!p0 $0x100000, s1;
	[bflag:$0x2] =	sbarrier.arrive $0xFFFF  }
0x24: {  	[sflag:s0] =	ssyncadd.tile.s32 @!p0 $0x1;
	_ =	shalt  }
.Lfunc_end2:
_tile_overlayer_lowered:
.L_overlay_start_2:
0x25: {  	(tag) =	ssettag $0x2  }
0x26: {  	s0 =	rddreg [dreg:$0x0];
	s2 =	stileid.u32  }
0x27: {  	s1 =	rddreg [dreg:$0x1];
	p0 =	sne.s32 s2, $0x0  }
0x28: {  	s3 =	rddreg [dreg:$0x2];
	[bflag:$0x3] =	sbarrier.arrive $0xFFFF;
	s2 =	simm.s32 @!p0 $0x1C01  }
0x29: {  	[timem:s3], [sflag:s2] =	dma.local @!p0 [hbm:s0], s1  }
0x2a: {  	s0 =	simm.s32 @!p0 $0x1  }
0x2b: {  	_ =	swait.ge @!p0 [sflag:s0], s1  }
0x2c: {  	s1 =	ssub.s32 @!p0 $0x0, s1;
	[sflag:s0] =	ssyncset.done @!p0 $0x0  }
0x2d: {  	[sflag:s0] =	ssyncadd.s32 @!p0 s1  }
0x2e: {  	[bflag:$0x3] =	sbarrier.arrive $0xFFFF  }
0x2f: {  	_ =	shalt  }

</sc_bundles>
